<compile_context>
chip_gen: v7x
topology: tpu7x:2x2x1
jax: 0.10.2.dev20260603
libtpu: 0.0.44.dev20260713+nightly
codegen_flags: <defaults>
</compile_context>

<pallas_src>
import functools

import jax
import jax.numpy as jnp
import numpy as np
from jax import lax
from jax.experimental import pallas as pl
from jax.experimental.pallas import tpu as pltpu
from jax.experimental.pallas import tpu_sc as plsc

BATCH = 128
FEAT = 32768
KEEP = 8192
OUT_SCALE = 4.0

NC = 2
NS = 16
L = 16
NW = NC * NS
ROWS_PER_W = BATCH // NW
NVREG = FEAT // L
NBUCKET = 256
NSUB = 1
HWORDS = NBUCKET * L + L


def _f32_to_key(x):
    b = lax.bitcast_convert_type(x, jnp.int32)
    m = lax.shift_right_arithmetic(b, 31)
    k = b ^ (m | jnp.int32(-2147483648))
    return lax.bitcast_convert_type(k, jnp.uint32)


def _key_to_f32(k):
    ki = lax.bitcast_convert_type(k, jnp.int32)
    mk = lax.shift_right_arithmetic(ki, 31)
    xm = (mk ^ jnp.int32(-1)) | jnp.int32(-2147483648)
    return lax.bitcast_convert_type(ki ^ xm, jnp.float32)


def _maxout_body(feat_hbm, out_hbm, row2_v, key_v, hist_v, scan_v,
                 sem_in, sem_out):
    wid = lax.axis_index("s") * NC + lax.axis_index("c")
    lanes = lax.iota(jnp.int32, L)
    ones = jnp.ones((L,), jnp.int32)
    laneoff = [lanes + sub * HWORDS for sub in range(NSUB)]
    r0 = wid * ROWS_PER_W

    lane15 = lanes * L + (L - 1)

    def _pick(tvec, tgt, scan_v):
        t_rev = jnp.flip(tvec)
        cum = plsc.cumsum(t_rev)
        hit = cum >= tgt
        j = plsc.all_reduce_ffs(hit)
        su = cum - t_rev
        scan_v[pl.ds(0, L)] = su
        s_above = plsc.load_gather(scan_v, [j])
        return 15 - j, tgt - s_above

    def merge_scan(target, scan_v):
        def gbody(g, _):
            acc = jnp.zeros((L,), jnp.int32)
            for j in range(16):
                off = g * (16 * L) + j * L
                for sub in range(NSUB):
                    acc = acc + hist_v[pl.ds(sub * HWORDS + off, L)]
            scan_v[pl.ds(L + g * L, L)] = plsc.cumsum(acc)
            return 0

        lax.fori_loop(0, 16, gbody, 0, unroll=2)
        gt = plsc.load_gather(scan_v, [L + lane15])
        gsel, ksel = _pick(gt, target, scan_v)
        gsel_s = jnp.max(gsel)

        def bbody(b, _):
            off = gsel_s * (16 * L) + b * L
            acc2 = hist_v[pl.ds(off, L)]
            for sub in range(1, NSUB):
                acc2 = acc2 + hist_v[pl.ds(sub * HWORDS + off, L)]
            scan_v[pl.ds(L + b * L, L)] = plsc.cumsum(acc2)
            return 0

        lax.fori_loop(0, 16, bbody, 0, unroll=2)
        bt = plsc.load_gather(scan_v, [L + lane15])
        bsel, ksel2 = _pick(bt, ksel, scan_v)
        return gsel * 16 + bsel, ksel2

    def zero_hist():
        @plsc.parallel_loop(0, NSUB * (NBUCKET + 1), 1, unroll=4)
        def _(i):
            hist_v[pl.ds(i * L, L)] = jnp.zeros((L,), jnp.int32)

    pltpu.async_copy(feat_hbm.at[r0], row2_v.at[pl.ds(0, FEAT)], sem_in)

    def row_body(rr, _):
        off = (rr & 1) * FEAT
        noff = FEAT - off
        zero_hist()
        pltpu.make_async_copy(
            feat_hbm.at[r0], row2_v.at[pl.ds(off, FEAT)], sem_in).wait()

        @plsc.parallel_loop(0, NVREG, NSUB, unroll=8)
        def _(i):
            for sub in range(NSUB):
                base = off + (i + sub) * L
                x = row2_v[pl.ds(base, L)]
                k = _f32_to_key(x)
                key_v[pl.ds((i + sub) * L, L)] = k
                idx16 = (lax.shift_right_logical(k, jnp.uint32(20))
                         & jnp.uint32(0xFF0))
                plsc.addupdate_scatter(
                    hist_v, [idx16.astype(jnp.int32) + laneoff[sub]], ones)

        @pl.when(rr > 0)
        def _():
            pltpu.make_async_copy(
                row2_v.at[pl.ds(noff, FEAT)], out_hbm.at[r0], sem_out).wait()

        @pl.when(rr < ROWS_PER_W - 1)
        def _():
            pltpu.async_copy(
                feat_hbm.at[r0 + rr + 1], row2_v.at[pl.ds(noff, FEAT)],
                sem_in)

        target = jnp.full((L,), KEEP, jnp.int32)
        dsel, target = merge_scan(target, scan_v)
        prefix = dsel.astype(jnp.uint32) << jnp.uint32(24)

        for level in range(1, 3):
            shift_d = 24 - 8 * level
            zero_hist()

            @plsc.parallel_loop(0, NVREG, NSUB, unroll=8)
            def _(i, prefix=prefix, shift_d=shift_d):
                for sub in range(NSUB):
                    k = key_v[pl.ds((i + sub) * L, L)]
                    rel = lax.shift_right_logical(
                        k - prefix, jnp.uint32(shift_d - 4))
                    t = jnp.minimum(rel, jnp.uint32(0x1000))
                    idx16 = t & jnp.uint32(0x1FF0)
                    plsc.addupdate_scatter(
                        hist_v, [idx16.astype(jnp.int32) + laneoff[sub]], ones)

            dsel, target = merge_scan(target, scan_v)
            prefix = prefix | (dsel.astype(jnp.uint32) << jnp.uint32(shift_d))

        thresh = prefix

        @plsc.parallel_loop(0, NVREG, 1, unroll=8)
        def _(i, thresh=thresh):
            k = key_v[pl.ds(i * L, L)]
            x = _key_to_f32(k)
            y = jnp.where(k >= thresh, x * OUT_SCALE, 0.0)
            row2_v[pl.ds(off + i * L, L)] = y

        pltpu.async_copy(
            row2_v.at[pl.ds(off, FEAT)], out_hbm.at[r0 + rr], sem_out)
        return 0

    lax.fori_loop(0, ROWS_PER_W, row_body, 0)
    pltpu.make_async_copy(
        row2_v.at[pl.ds(0, FEAT)], out_hbm.at[r0], sem_out).wait()


@jax.jit
def _maxout_sc(feat):
    mesh = plsc.VectorSubcoreMesh(core_axis_name="c", subcore_axis_name="s")
    f = functools.partial(
        pl.kernel,
        out_type=jax.ShapeDtypeStruct((BATCH, FEAT), jnp.float32),
        mesh=mesh,
        scratch_types=[
            pltpu.VMEM((2 * FEAT,), jnp.float32),
            pltpu.VMEM((FEAT,), jnp.uint32),
            pltpu.VMEM((NSUB * HWORDS,), jnp.int32),
            pltpu.VMEM((L + 16 * L,), jnp.int32),
            pltpu.SemaphoreType.DMA,
            pltpu.SemaphoreType.DMA,
        ],
        compiler_params=pltpu.CompilerParams(needs_layout_passes=False),
    )(_maxout_body)
    return f(feat)


def kernel(feat):
    return _maxout_sc(feat)

# --- scband reference (transcript-rebuilt; emitter-appended) ---
"""Pipeline reference for scband-maxout-dynamic-55181739819231 (READ-ONLY COPY).

The authoritative reference and input builder live on the scoring server;
editing this copy changes nothing except your own understanding.
"""

import jax, jax.numpy as jnp
import numpy as np

NACTIVE = 8192
FEATSIZE = 32768
BATCH = 128

def setup_inputs(seed: int = 0) -> dict:
    key = jax.random.key(seed)
    feat = jax.random.normal(key, (BATCH, FEATSIZE), dtype=jnp.float32)
    return {"feat": feat}

def reference(feat):
    # Faithful translation of MaxoutDynamic.forward in training mode:
    # zero out the (featsize - nactive) smallest entries of each row, then rescale.
    featsize = FEATSIZE
    nactive = NACTIVE
    proportion = (featsize - nactive) / featsize
    scale = 1.0 / (1.0 - proportion)
    batchsize = feat.shape[0]
    # argsort ascending: first (featsize - nactive) columns index the smallest values
    sortind = jnp.argsort(feat, axis=1)
    m = (featsize * jnp.arange(batchsize, dtype=jnp.int32))[:, None]
    m2 = sortind + m  # flat indices into feat.reshape(-1)
    m2 = m2[:, : featsize - nactive]
    flat = feat.reshape(batchsize * featsize)
    flat = flat.at[m2.reshape(-1)].set(0.0)
    flat = flat * scale
    out = flat.reshape(batchsize, featsize)
    return out

if __name__ == "__main__":
    import jax
    _d = setup_inputs()
    print(jax.jit(kernel)(*tuple(_d.values())))

</pallas_src>

<mosaic_0001>
#map = affine_map<(d0, d1) -> (0, 0)>
module attributes {stable_mosaic.version = 14 : i64} {
  func.func @_maxout_body(%arg0: i32, %arg1: i32, %arg2: memref<128x32768xf32, #tpu.memory_space<hbm>>, %arg3: memref<128x32768xf32, #tpu.memory_space<hbm>>, %arg4: memref<65536xf32, #tpu.memory_space<vmem>>, %arg5: memref<32768xi32, #tpu.memory_space<vmem>>, %arg6: memref<4112xi32, #tpu.memory_space<vmem>>, %arg7: memref<272xi32, #tpu.memory_space<vmem>>, %arg8: memref<!tpu.dma_semaphore, #tpu.memory_space<semaphore_mem>>, %arg9: memref<!tpu.dma_semaphore, #tpu.memory_space<semaphore_mem>>) attributes {dimension_semantics = [#tpu.dimension_semantics<core_parallel>, #tpu.dimension_semantics<subcore_parallel>], iteration_bounds = array<i64: 2, 16>, scalar_prefetch = 0 : i64, scratch_operands = 6 : i64, tpu.core_type = #tpu.core_type<sc_vector_subcore>, window_params = [{transform_indices = #map}, {transform_indices = #map}]} {
    %mul3A = arith.constant 2 : i32
    %mul3A_0 = arith.muli %arg1, %mul3A : i32
    %add3A = arith.addi %mul3A_0, %arg0 : i32
    %iota3A = tpu.iota {dimensions = array<i32: 0>} : vector<16xi32>
    %broadcast_in_dim3A = arith.constant 1 : i32
    %broadcast_in_dim3A_1 = vector.broadcast %broadcast_in_dim3A : i32 to vector<16xi32>
    %add3A_2 = arith.constant 0 : i32
    %add3A_3 = vector.broadcast %add3A_2 : i32 to vector<16xi32>
    %add3A_4 = arith.addi %iota3A, %add3A_3 : vector<16xi32>
    %mul3A_5 = arith.constant 4 : i32
    %mul3A_6 = arith.muli %add3A, %mul3A_5 : i32
    %mul3A_7 = arith.constant 16 : i32
    %mul3A_8 = vector.broadcast %mul3A_7 : i32 to vector<16xi32>
    %mul3A_9 = arith.muli %iota3A, %mul3A_8 : vector<16xi32>
    %add3A_10 = arith.constant 15 : i32
    %add3A_11 = vector.broadcast %add3A_10 : i32 to vector<16xi32>
    %add3A_12 = arith.addi %mul3A_9, %add3A_11 : vector<16xi32>
    %dma_start3A = arith.constant 0 : i32
    %dma_start3A_13 = tpu.memref_slice %arg4[%dma_start3A] : memref<65536xf32, #tpu.memory_space<vmem>> -> memref<32768xf32, #tpu.memory_space<vmem>>
    %dma_start3A_14 = arith.constant 0 : i32
    %dma_start3A_15 = tpu.memref_slice %arg2[%mul3A_6, %dma_start3A_14] : memref<128x32768xf32, #tpu.memory_space<hbm>> -> memref<1x32768xf32, #tpu.memory_space<hbm>>
    %dma_start3A_16 = tpu.memref_squeeze %dma_start3A_15 : memref<1x32768xf32, #tpu.memory_space<hbm>> -> memref<32768xf32, #tpu.memory_space<hbm>>
    %dma_start3A_17 = arith.constant 0 : i32
    %dma_start3A_18 = tpu.memref_slice %arg4[%dma_start3A_17] : memref<65536xf32, #tpu.memory_space<vmem>> -> memref<32768xf32, #tpu.memory_space<vmem>>
    %dma_start3A_19 = arith.constant 0 : i32
    %dma_start3A_20 = tpu.memref_slice %arg2[%mul3A_6, %dma_start3A_19] : memref<128x32768xf32, #tpu.memory_space<hbm>> -> memref<1x32768xf32, #tpu.memory_space<hbm>>
    %dma_start3A_21 = tpu.memref_squeeze %dma_start3A_20 : memref<1x32768xf32, #tpu.memory_space<hbm>> -> memref<32768xf32, #tpu.memory_space<hbm>>
    tpu.enqueue_dma source(%dma_start3A_21 : memref<32768xf32, #tpu.memory_space<hbm>>) target(%dma_start3A_18 : memref<32768xf32, #tpu.memory_space<vmem>>) target_semaphore(%arg8 : memref<!tpu.dma_semaphore, #tpu.memory_space<semaphore_mem>>)
    %scan3A = arith.constant 0 : i32
    %scan3A_22 = arith.constant 0 : i32
    %scan3A_23 = arith.constant 4 : i32
    %scan3A_24 = arith.addi %scan3A_22, %scan3A_23 : i32
    %scan3A_25 = arith.constant 1 : i32
    %scan3A_26 = scf.for %scan3A_37 = %scan3A_22 to %scan3A_24 step %scan3A_25 iter_args(%scan3A_38 = %scan3A) -> (i32)  : i32 {
      %and3A = arith.constant 1 : i32
      %and3A_39 = arith.andi %scan3A_37, %and3A : i32
      %mul3A_40 = arith.constant 32768 : i32
      %mul3A_41 = arith.muli %and3A_39, %mul3A_40 : i32
      %sub3A = arith.constant 32768 : i32
      %sub3A_42 = arith.subi %sub3A, %mul3A_41 : i32
      %parallel_loop3A = arith.constant 0 : i32
      %parallel_loop3A_43 = arith.constant 257 : i32
      %parallel_loop3A_44 = arith.constant 1 : i32
      scf.for %parallel_loop3A_301 = %parallel_loop3A to %parallel_loop3A_43 step %parallel_loop3A_44  : i32 {
        %parallel_loop3A_302 = arith.constant 0 : i32
        %parallel_loop3A_303 = vector.broadcast %parallel_loop3A_302 : i32 to vector<16xi32>
        %parallel_loop3A_304 = arith.constant 16 : i32
        %parallel_loop3A_305 = arith.muli %parallel_loop3A_301, %parallel_loop3A_304 : i32
        %parallel_loop3A_306 = arith.index_cast %parallel_loop3A_305 : i32 to index
        %parallel_loop3A_307 = tpu.vector_load %arg6[%parallel_loop3A_306] {strides = array<i32>} : memref<4112xi32, #tpu.memory_space<vmem>>, vector<16xi32>,
        tpu.vector_store %arg6[%parallel_loop3A_306], %parallel_loop3A_303 {strides = array<i32>} : memref<4112xi32, #tpu.memory_space<vmem>>, vector<16xi32>,
      } {sc.loop_unroll_factor = 4 : i64, sc.parallel_access}
      %dma_wait3A_45 = tpu.memref_slice %arg4[%mul3A_41] : memref<65536xf32, #tpu.memory_space<vmem>> -> memref<32768xf32, #tpu.memory_space<vmem>>
      %dma_wait3A_46 = arith.constant 0 : i32
      %dma_wait3A_47 = tpu.memref_slice %arg2[%mul3A_6, %dma_wait3A_46] : memref<128x32768xf32, #tpu.memory_space<hbm>> -> memref<1x32768xf32, #tpu.memory_space<hbm>>
      %dma_wait3A_48 = tpu.memref_squeeze %dma_wait3A_47 : memref<1x32768xf32, #tpu.memory_space<hbm>> -> memref<32768xf32, #tpu.memory_space<hbm>>
      %dma_wait3A_49 = tpu.memref_slice %arg4[%mul3A_41] : memref<65536xf32, #tpu.memory_space<vmem>> -> memref<32768xf32, #tpu.memory_space<vmem>>
      %dma_wait3A_50 = arith.constant 0 : i32
      %dma_wait3A_51 = tpu.memref_slice %arg2[%mul3A_6, %dma_wait3A_50] : memref<128x32768xf32, #tpu.memory_space<hbm>> -> memref<1x32768xf32, #tpu.memory_space<hbm>>
      %dma_wait3A_52 = tpu.memref_squeeze %dma_wait3A_51 : memref<1x32768xf32, #tpu.memory_space<hbm>> -> memref<32768xf32, #tpu.memory_space<hbm>>
      tpu.wait_dma2 semaphore(%arg8 : memref<!tpu.dma_semaphore, #tpu.memory_space<semaphore_mem>>) src(%dma_wait3A_52 : memref<32768xf32, #tpu.memory_space<hbm>>) dst(%dma_wait3A_49 : memref<32768xf32, #tpu.memory_space<vmem>>)
      %parallel_loop3A_53 = arith.constant 0 : i32
      %parallel_loop3A_54 = arith.constant 2048 : i32
      %parallel_loop3A_55 = arith.constant 1 : i32
      scf.for %parallel_loop3A_301 = %parallel_loop3A_53 to %parallel_loop3A_54 step %parallel_loop3A_55  : i32 {
        %parallel_loop3A_302 = arith.constant 0 : i32
        %parallel_loop3A_303 = arith.addi %parallel_loop3A_301, %parallel_loop3A_302 : i32
        %parallel_loop3A_304 = arith.constant 16 : i32
        %parallel_loop3A_305 = arith.muli %parallel_loop3A_303, %parallel_loop3A_304 : i32
        %parallel_loop3A_306 = arith.addi %mul3A_41, %parallel_loop3A_305 : i32
        %parallel_loop3A_307 = arith.index_cast %parallel_loop3A_306 : i32 to index
        %parallel_loop3A_308 = tpu.vector_load %arg4[%parallel_loop3A_307] {strides = array<i32>} : memref<65536xf32, #tpu.memory_space<vmem>>, vector<16xf32>,
        %parallel_loop3A_309 = tpu.bitcast %parallel_loop3A_308 : vector<16xf32> -> vector<16xi32>
        %parallel_loop3A_310 = arith.constant 31 : i32
        %parallel_loop3A_311 = vector.broadcast %parallel_loop3A_310 : i32 to vector<16xi32>
        %parallel_loop3A_312 = arith.shrsi %parallel_loop3A_309, %parallel_loop3A_311 : vector<16xi32>
        %parallel_loop3A_313 = arith.constant -2147483648 : i32
        %parallel_loop3A_314 = vector.broadcast %parallel_loop3A_313 : i32 to vector<16xi32>
        %parallel_loop3A_315 = arith.ori %parallel_loop3A_312, %parallel_loop3A_314 : vector<16xi32>
        %parallel_loop3A_316 = arith.xori %parallel_loop3A_309, %parallel_loop3A_315 : vector<16xi32>
        %parallel_loop3A_317 = tpu.bitcast %parallel_loop3A_316 : vector<16xi32> -> vector<16xi32>
        %parallel_loop3A_318 = arith.constant 0 : i32
        %parallel_loop3A_319 = arith.addi %parallel_loop3A_301, %parallel_loop3A_318 : i32
        %parallel_loop3A_320 = arith.constant 16 : i32
        %parallel_loop3A_321 = arith.muli %parallel_loop3A_319, %parallel_loop3A_320 : i32
        %parallel_loop3A_322 = arith.index_cast %parallel_loop3A_321 : i32 to index
        %parallel_loop3A_323 = tpu.vector_load %arg5[%parallel_loop3A_322] {strides = array<i32>} : memref<32768xi32, #tpu.memory_space<vmem>>, vector<16xi32>,
        tpu.vector_store %arg5[%parallel_loop3A_322], %parallel_loop3A_317 {strides = array<i32>} : memref<32768xi32, #tpu.memory_space<vmem>>, vector<16xi32>,
        %parallel_loop3A_324 = arith.constant 20 : i32
        %parallel_loop3A_325 = vector.broadcast %parallel_loop3A_324 : i32 to vector<16xi32>
        %parallel_loop3A_326 = arith.shrui %parallel_loop3A_317, %parallel_loop3A_325 : vector<16xi32>
        %parallel_loop3A_327 = arith.constant 4080 : i32
        %parallel_loop3A_328 = vector.broadcast %parallel_loop3A_327 : i32 to vector<16xi32>
        %parallel_loop3A_329 = arith.andi %parallel_loop3A_326, %parallel_loop3A_328 : vector<16xi32>
        %parallel_loop3A_330 = arith.addi %parallel_loop3A_329, %add3A_4 : vector<16xi32>
        tpu.vector_store_idx %arg6[%parallel_loop3A_330], %broadcast_in_dim3A_1 {add = true} : memref<4112xi32, #tpu.memory_space<vmem>>[vector<16xi32>], vector<16xi32>,
      } {sc.loop_unroll_factor = 8 : i64, sc.parallel_access}
      %gt3A = arith.constant 0 : i32
      %gt3A_56 = arith.cmpi sgt, %scan3A_37, %gt3A : i32
      %convert_element_type3A = arith.extui %gt3A_56 : i1 to i32
      %cond3A = arith.constant 0 : i32
      %cond3A_57 = arith.cmpi ne, %convert_element_type3A, %cond3A : i32
      scf.if %cond3A_57 {
        %dma_wait3A_301 = tpu.memref_slice %arg4[%sub3A_42] : memref<65536xf32, #tpu.memory_space<vmem>> -> memref<32768xf32, #tpu.memory_space<vmem>>
        %dma_wait3A_302 = arith.constant 0 : i32
        %dma_wait3A_303 = tpu.memref_slice %arg3[%mul3A_6, %dma_wait3A_302] : memref<128x32768xf32, #tpu.memory_space<hbm>> -> memref<1x32768xf32, #tpu.memory_space<hbm>>
        %dma_wait3A_304 = tpu.memref_squeeze %dma_wait3A_303 : memref<1x32768xf32, #tpu.memory_space<hbm>> -> memref<32768xf32, #tpu.memory_space<hbm>>
        %dma_wait3A_305 = arith.constant 0 : i32
        %dma_wait3A_306 = tpu.memref_slice %arg3[%mul3A_6, %dma_wait3A_305] : memref<128x32768xf32, #tpu.memory_space<hbm>> -> memref<1x32768xf32, #tpu.memory_space<hbm>>
        %dma_wait3A_307 = tpu.memref_squeeze %dma_wait3A_306 : memref<1x32768xf32, #tpu.memory_space<hbm>> -> memref<32768xf32, #tpu.memory_space<hbm>>
        %dma_wait3A_308 = tpu.memref_slice %arg4[%sub3A_42] : memref<65536xf32, #tpu.memory_space<vmem>> -> memref<32768xf32, #tpu.memory_space<vmem>>
        tpu.wait_dma2 semaphore(%arg9 : memref<!tpu.dma_semaphore, #tpu.memory_space<semaphore_mem>>) src(%dma_wait3A_308 : memref<32768xf32, #tpu.memory_space<vmem>>) dst(%dma_wait3A_307 : memref<32768xf32, #tpu.memory_space<hbm>>)
      } else {
      }
      %lt3A = arith.constant 3 : i32
      %lt3A_58 = arith.cmpi slt, %scan3A_37, %lt3A : i32
      %convert_element_type3A_59 = arith.extui %lt3A_58 : i1 to i32
      %cond3A_60 = arith.constant 0 : i32
      %cond3A_61 = arith.cmpi ne, %convert_element_type3A_59, %cond3A_60 : i32
      scf.if %cond3A_61 {
        %add3A_301 = arith.addi %mul3A_6, %scan3A_37 : i32
        %add3A_302 = arith.constant 1 : i32
        %add3A_303 = arith.addi %add3A_301, %add3A_302 : i32
        %dma_start3A_304 = tpu.memref_slice %arg4[%sub3A_42] : memref<65536xf32, #tpu.memory_space<vmem>> -> memref<32768xf32, #tpu.memory_space<vmem>>
        %dma_start3A_305 = arith.constant 0 : i32
        %dma_start3A_306 = tpu.memref_slice %arg2[%add3A_303, %dma_start3A_305] : memref<128x32768xf32, #tpu.memory_space<hbm>> -> memref<1x32768xf32, #tpu.memory_space<hbm>>
        %dma_start3A_307 = tpu.memref_squeeze %dma_start3A_306 : memref<1x32768xf32, #tpu.memory_space<hbm>> -> memref<32768xf32, #tpu.memory_space<hbm>>
        %dma_start3A_308 = tpu.memref_slice %arg4[%sub3A_42] : memref<65536xf32, #tpu.memory_space<vmem>> -> memref<32768xf32, #tpu.memory_space<vmem>>
        %dma_start3A_309 = arith.constant 0 : i32
        %dma_start3A_310 = tpu.memref_slice %arg2[%add3A_303, %dma_start3A_309] : memref<128x32768xf32, #tpu.memory_space<hbm>> -> memref<1x32768xf32, #tpu.memory_space<hbm>>
        %dma_start3A_311 = tpu.memref_squeeze %dma_start3A_310 : memref<1x32768xf32, #tpu.memory_space<hbm>> -> memref<32768xf32, #tpu.memory_space<hbm>>
        tpu.enqueue_dma source(%dma_start3A_311 : memref<32768xf32, #tpu.memory_space<hbm>>) target(%dma_start3A_308 : memref<32768xf32, #tpu.memory_space<vmem>>) target_semaphore(%arg8 : memref<!tpu.dma_semaphore, #tpu.memory_space<semaphore_mem>>)
      } else {
      }
      %broadcast_in_dim3A_62 = arith.constant 8192 : i32
      %broadcast_in_dim3A_63 = vector.broadcast %broadcast_in_dim3A_62 : i32 to vector<16xi32>
      %scan3A_64 = arith.constant 0 : i32
      %scan3A_65 = arith.constant 0 : i32
      %scan3A_66 = arith.constant 16 : i32
      %scan3A_67 = arith.addi %scan3A_65, %scan3A_66 : i32
      %scan3A_68 = arith.constant 2 : i32
      %scan3A_69 = scf.for %scan3A_301 = %scan3A_65 to %scan3A_67 step %scan3A_68 iter_args(%scan3A_302 = %scan3A_64) -> (i32)  : i32 {
        %broadcast_in_dim3A_303 = arith.constant 0 : i32
        %broadcast_in_dim3A_304 = vector.broadcast %broadcast_in_dim3A_303 : i32 to vector<16xi32>
        %mul3A_305 = arith.constant 256 : i32
        %mul3A_306 = arith.muli %scan3A_301, %mul3A_305 : i32
        %add3A_307 = arith.constant 0 : i32
        %add3A_308 = arith.addi %mul3A_306, %add3A_307 : i32
        %add3A_309 = arith.constant 0 : i32
        %add3A_310 = arith.addi %add3A_309, %add3A_308 : i32
        %get3A = arith.index_cast %add3A_310 : i32 to index
        %get3A_311 = tpu.vector_load %arg6[%get3A] {strides = array<i32>} : memref<4112xi32, #tpu.memory_space<vmem>>, vector<16xi32>,
        %add3A_312 = arith.addi %broadcast_in_dim3A_304, %get3A_311 : vector<16xi32>
        %mul3A_313 = arith.constant 256 : i32
        %mul3A_314 = arith.muli %scan3A_301, %mul3A_313 : i32
        %add3A_315 = arith.constant 16 : i32
        %add3A_316 = arith.addi %mul3A_314, %add3A_315 : i32
        %add3A_317 = arith.constant 0 : i32
        %add3A_318 = arith.addi %add3A_317, %add3A_316 : i32
        %get3A_319 = arith.index_cast %add3A_318 : i32 to index
        %get3A_320 = tpu.vector_load %arg6[%get3A_319] {strides = array<i32>} : memref<4112xi32, #tpu.memory_space<vmem>>, vector<16xi32>,
        %add3A_321 = arith.addi %add3A_312, %get3A_320 : vector<16xi32>
        %mul3A_322 = arith.constant 256 : i32
        %mul3A_323 = arith.muli %scan3A_301, %mul3A_322 : i32
        %add3A_324 = arith.constant 32 : i32
        %add3A_325 = arith.addi %mul3A_323, %add3A_324 : i32
        %add3A_326 = arith.constant 0 : i32
        %add3A_327 = arith.addi %add3A_326, %add3A_325 : i32
        %get3A_328 = arith.index_cast %add3A_327 : i32 to index
        %get3A_329 = tpu.vector_load %arg6[%get3A_328] {strides = array<i32>} : memref<4112xi32, #tpu.memory_space<vmem>>, vector<16xi32>,
        %add3A_330 = arith.addi %add3A_321, %get3A_329 : vector<16xi32>
        %mul3A_331 = arith.constant 256 : i32
        %mul3A_332 = arith.muli %scan3A_301, %mul3A_331 : i32
        %add3A_333 = arith.constant 48 : i32
        %add3A_334 = arith.addi %mul3A_332, %add3A_333 : i32
        %add3A_335 = arith.constant 0 : i32
        %add3A_336 = arith.addi %add3A_335, %add3A_334 : i32
        %get3A_337 = arith.index_cast %add3A_336 : i32 to index
        %get3A_338 = tpu.vector_load %arg6[%get3A_337] {strides = array<i32>} : memref<4112xi32, #tpu.memory_space<vmem>>, vector<16xi32>,
        %add3A_339 = arith.addi %add3A_330, %get3A_338 : vector<16xi32>
        %mul3A_340 = arith.constant 256 : i32
        %mul3A_341 = arith.muli %scan3A_301, %mul3A_340 : i32
        %add3A_342 = arith.constant 64 : i32
        %add3A_343 = arith.addi %mul3A_341, %add3A_342 : i32
        %add3A_344 = arith.constant 0 : i32
        %add3A_345 = arith.addi %add3A_344, %add3A_343 : i32
        %get3A_346 = arith.index_cast %add3A_345 : i32 to index
        %get3A_347 = tpu.vector_load %arg6[%get3A_346] {strides = array<i32>} : memref<4112xi32, #tpu.memory_space<vmem>>, vector<16xi32>,
        %add3A_348 = arith.addi %add3A_339, %get3A_347 : vector<16xi32>
        %mul3A_349 = arith.constant 256 : i32
        %mul3A_350 = arith.muli %scan3A_301, %mul3A_349 : i32
        %add3A_351 = arith.constant 80 : i32
        %add3A_352 = arith.addi %mul3A_350, %add3A_351 : i32
        %add3A_353 = arith.constant 0 : i32
        %add3A_354 = arith.addi %add3A_353, %add3A_352 : i32
        %get3A_355 = arith.index_cast %add3A_354 : i32 to index
        %get3A_356 = tpu.vector_load %arg6[%get3A_355] {strides = array<i32>} : memref<4112xi32, #tpu.memory_space<vmem>>, vector<16xi32>,
        %add3A_357 = arith.addi %add3A_348, %get3A_356 : vector<16xi32>
        %mul3A_358 = arith.constant 256 : i32
        %mul3A_359 = arith.muli %scan3A_301, %mul3A_358 : i32
        %add3A_360 = arith.constant 96 : i32
        %add3A_361 = arith.addi %mul3A_359, %add3A_360 : i32
        %add3A_362 = arith.constant 0 : i32
        %add3A_363 = arith.addi %add3A_362, %add3A_361 : i32
        %get3A_364 = arith.index_cast %add3A_363 : i32 to index
        %get3A_365 = tpu.vector_load %arg6[%get3A_364] {strides = array<i32>} : memref<4112xi32, #tpu.memory_space<vmem>>, vector<16xi32>,
        %add3A_366 = arith.addi %add3A_357, %get3A_365 : vector<16xi32>
        %mul3A_367 = arith.constant 256 : i32
        %mul3A_368 = arith.muli %scan3A_301, %mul3A_367 : i32
        %add3A_369 = arith.constant 112 : i32
        %add3A_370 = arith.addi %mul3A_368, %add3A_369 : i32
        %add3A_371 = arith.constant 0 : i32
        %add3A_372 = arith.addi %add3A_371, %add3A_370 : i32
        %get3A_373 = arith.index_cast %add3A_372 : i32 to index
        %get3A_374 = tpu.vector_load %arg6[%get3A_373] {strides = array<i32>} : memref<4112xi32, #tpu.memory_space<vmem>>, vector<16xi32>,
        %add3A_375 = arith.addi %add3A_366, %get3A_374 : vector<16xi32>
        %mul3A_376 = arith.constant 256 : i32
        %mul3A_377 = arith.muli %scan3A_301, %mul3A_376 : i32
        %add3A_378 = arith.constant 128 : i32
        %add3A_379 = arith.addi %mul3A_377, %add3A_378 : i32
        %add3A_380 = arith.constant 0 : i32
        %add3A_381 = arith.addi %add3A_380, %add3A_379 : i32
        %get3A_382 = arith.index_cast %add3A_381 : i32 to index
        %get3A_383 = tpu.vector_load %arg6[%get3A_382] {strides = array<i32>} : memref<4112xi32, #tpu.memory_space<vmem>>, vector<16xi32>,
        %add3A_384 = arith.addi %add3A_375, %get3A_383 : vector<16xi32>
        %mul3A_385 = arith.constant 256 : i32
        %mul3A_386 = arith.muli %scan3A_301, %mul3A_385 : i32
        %add3A_387 = arith.constant 144 : i32
        %add3A_388 = arith.addi %mul3A_386, %add3A_387 : i32
        %add3A_389 = arith.constant 0 : i32
        %add3A_390 = arith.addi %add3A_389, %add3A_388 : i32
        %get3A_391 = arith.index_cast %add3A_390 : i32 to index
        %get3A_392 = tpu.vector_load %arg6[%get3A_391] {strides = array<i32>} : memref<4112xi32, #tpu.memory_space<vmem>>, vector<16xi32>,
        %add3A_393 = arith.addi %add3A_384, %get3A_392 : vector<16xi32>
        %mul3A_394 = arith.constant 256 : i32
        %mul3A_395 = arith.muli %scan3A_301, %mul3A_394 : i32
        %add3A_396 = arith.constant 160 : i32
        %add3A_397 = arith.addi %mul3A_395, %add3A_396 : i32
        %add3A_398 = arith.constant 0 : i32
        %add3A_399 = arith.addi %add3A_398, %add3A_397 : i32
        %get3A_400 = arith.index_cast %add3A_399 : i32 to index
        %get3A_401 = tpu.vector_load %arg6[%get3A_400] {strides = array<i32>} : memref<4112xi32, #tpu.memory_space<vmem>>, vector<16xi32>,
        %add3A_402 = arith.addi %add3A_393, %get3A_401 : vector<16xi32>
        %mul3A_403 = arith.constant 256 : i32
        %mul3A_404 = arith.muli %scan3A_301, %mul3A_403 : i32
        %add3A_405 = arith.constant 176 : i32
        %add3A_406 = arith.addi %mul3A_404, %add3A_405 : i32
        %add3A_407 = arith.constant 0 : i32
        %add3A_408 = arith.addi %add3A_407, %add3A_406 : i32
        %get3A_409 = arith.index_cast %add3A_408 : i32 to index
        %get3A_410 = tpu.vector_load %arg6[%get3A_409] {strides = array<i32>} : memref<4112xi32, #tpu.memory_space<vmem>>, vector<16xi32>,
        %add3A_411 = arith.addi %add3A_402, %get3A_410 : vector<16xi32>
        %mul3A_412 = arith.constant 256 : i32
        %mul3A_413 = arith.muli %scan3A_301, %mul3A_412 : i32
        %add3A_414 = arith.constant 192 : i32
        %add3A_415 = arith.addi %mul3A_413, %add3A_414 : i32
        %add3A_416 = arith.constant 0 : i32
        %add3A_417 = arith.addi %add3A_416, %add3A_415 : i32
        %get3A_418 = arith.index_cast %add3A_417 : i32 to index
        %get3A_419 = tpu.vector_load %arg6[%get3A_418] {strides = array<i32>} : memref<4112xi32, #tpu.memory_space<vmem>>, vector<16xi32>,
        %add3A_420 = arith.addi %add3A_411, %get3A_419 : vector<16xi32>
        %mul3A_421 = arith.constant 256 : i32
        %mul3A_422 = arith.muli %scan3A_301, %mul3A_421 : i32
        %add3A_423 = arith.constant 208 : i32
        %add3A_424 = arith.addi %mul3A_422, %add3A_423 : i32
        %add3A_425 = arith.constant 0 : i32
        %add3A_426 = arith.addi %add3A_425, %add3A_424 : i32
        %get3A_427 = arith.index_cast %add3A_426 : i32 to index
        %get3A_428 = tpu.vector_load %arg6[%get3A_427] {strides = array<i32>} : memref<4112xi32, #tpu.memory_space<vmem>>, vector<16xi32>,
        %add3A_429 = arith.addi %add3A_420, %get3A_428 : vector<16xi32>
        %mul3A_430 = arith.constant 256 : i32
        %mul3A_431 = arith.muli %scan3A_301, %mul3A_430 : i32
        %add3A_432 = arith.constant 224 : i32
        %add3A_433 = arith.addi %mul3A_431, %add3A_432 : i32
        %add3A_434 = arith.constant 0 : i32
        %add3A_435 = arith.addi %add3A_434, %add3A_433 : i32
        %get3A_436 = arith.index_cast %add3A_435 : i32 to index
        %get3A_437 = tpu.vector_load %arg6[%get3A_436] {strides = array<i32>} : memref<4112xi32, #tpu.memory_space<vmem>>, vector<16xi32>,
        %add3A_438 = arith.addi %add3A_429, %get3A_437 : vector<16xi32>
        %mul3A_439 = arith.constant 256 : i32
        %mul3A_440 = arith.muli %scan3A_301, %mul3A_439 : i32
        %add3A_441 = arith.constant 240 : i32
        %add3A_442 = arith.addi %mul3A_440, %add3A_441 : i32
        %add3A_443 = arith.constant 0 : i32
        %add3A_444 = arith.addi %add3A_443, %add3A_442 : i32
        %get3A_445 = arith.index_cast %add3A_444 : i32 to index
        %get3A_446 = tpu.vector_load %arg6[%get3A_445] {strides = array<i32>} : memref<4112xi32, #tpu.memory_space<vmem>>, vector<16xi32>,
        %add3A_447 = arith.addi %add3A_438, %get3A_446 : vector<16xi32>
        %broadcast_in_dim3A_448 = arith.constant true
        %broadcast_in_dim3A_449 = vector.broadcast %broadcast_in_dim3A_448 : i1 to vector<16xi1>
        %masked_cumsum3A_450 = tpu.scan <sum>, %add3A_447 masked %broadcast_in_dim3A_449 : vector<16xi32>, vector<16xi1> -> vector<16xi32>
        %mul3A_451 = arith.constant 16 : i32
        %mul3A_452 = arith.muli %scan3A_301, %mul3A_451 : i32
        %add3A_453 = arith.constant 16 : i32
        %add3A_454 = arith.addi %add3A_453, %mul3A_452 : i32
        %swap3A_455 = arith.index_cast %add3A_454 : i32 to index
        %swap3A_456 = tpu.vector_load %arg7[%swap3A_455] {strides = array<i32>} : memref<272xi32, #tpu.memory_space<vmem>>, vector<16xi32>,
        tpu.vector_store %arg7[%swap3A_455], %masked_cumsum3A_450 {strides = array<i32>} : memref<272xi32, #tpu.memory_space<vmem>>, vector<16xi32>,
        %scan3A_457 = arith.constant 0 : i32
        %scan3A_458 = arith.constant 1 : i32
        %scan3A_459 = arith.addi %scan3A_301, %scan3A_458 : i32
        %broadcast_in_dim3A_460 = arith.constant 0 : i32
        %broadcast_in_dim3A_461 = vector.broadcast %broadcast_in_dim3A_460 : i32 to vector<16xi32>
        %mul3A_462 = arith.constant 256 : i32
        %mul3A_463 = arith.muli %scan3A_459, %mul3A_462 : i32
        %add3A_464 = arith.constant 0 : i32
        %add3A_465 = arith.addi %mul3A_463, %add3A_464 : i32
        %add3A_466 = arith.constant 0 : i32
        %add3A_467 = arith.addi %add3A_466, %add3A_465 : i32
        %get3A_468 = arith.index_cast %add3A_467 : i32 to index
        %get3A_469 = tpu.vector_load %arg6[%get3A_468] {strides = array<i32>} : memref<4112xi32, #tpu.memory_space<vmem>>, vector<16xi32>,
        %add3A_470 = arith.addi %broadcast_in_dim3A_461, %get3A_469 : vector<16xi32>
        %mul3A_471 = arith.constant 256 : i32
        %mul3A_472 = arith.muli %scan3A_459, %mul3A_471 : i32
        %add3A_473 = arith.constant 16 : i32
        %add3A_474 = arith.addi %mul3A_472, %add3A_473 : i32
        %add3A_475 = arith.constant 0 : i32
        %add3A_476 = arith.addi %add3A_475, %add3A_474 : i32
        %get3A_477 = arith.index_cast %add3A_476 : i32 to index
        %get3A_478 = tpu.vector_load %arg6[%get3A_477] {strides = array<i32>} : memref<4112xi32, #tpu.memory_space<vmem>>, vector<16xi32>,
        %add3A_479 = arith.addi %add3A_470, %get3A_478 : vector<16xi32>
        %mul3A_480 = arith.constant 256 : i32
        %mul3A_481 = arith.muli %scan3A_459, %mul3A_480 : i32
        %add3A_482 = arith.constant 32 : i32
        %add3A_483 = arith.addi %mul3A_481, %add3A_482 : i32
        %add3A_484 = arith.constant 0 : i32
        %add3A_485 = arith.addi %add3A_484, %add3A_483 : i32
        %get3A_486 = arith.index_cast %add3A_485 : i32 to index
        %get3A_487 = tpu.vector_load %arg6[%get3A_486] {strides = array<i32>} : memref<4112xi32, #tpu.memory_space<vmem>>, vector<16xi32>,
        %add3A_488 = arith.addi %add3A_479, %get3A_487 : vector<16xi32>
        %mul3A_489 = arith.constant 256 : i32
        %mul3A_490 = arith.muli %scan3A_459, %mul3A_489 : i32
        %add3A_491 = arith.constant 48 : i32
        %add3A_492 = arith.addi %mul3A_490, %add3A_491 : i32
        %add3A_493 = arith.constant 0 : i32
        %add3A_494 = arith.addi %add3A_493, %add3A_492 : i32
        %get3A_495 = arith.index_cast %add3A_494 : i32 to index
        %get3A_496 = tpu.vector_load %arg6[%get3A_495] {strides = array<i32>} : memref<4112xi32, #tpu.memory_space<vmem>>, vector<16xi32>,
        %add3A_497 = arith.addi %add3A_488, %get3A_496 : vector<16xi32>
        %mul3A_498 = arith.constant 256 : i32
        %mul3A_499 = arith.muli %scan3A_459, %mul3A_498 : i32
        %add3A_500 = arith.constant 64 : i32
        %add3A_501 = arith.addi %mul3A_499, %add3A_500 : i32
        %add3A_502 = arith.constant 0 : i32
        %add3A_503 = arith.addi %add3A_502, %add3A_501 : i32
        %get3A_504 = arith.index_cast %add3A_503 : i32 to index
        %get3A_505 = tpu.vector_load %arg6[%get3A_504] {strides = array<i32>} : memref<4112xi32, #tpu.memory_space<vmem>>, vector<16xi32>,
        %add3A_506 = arith.addi %add3A_497, %get3A_505 : vector<16xi32>
        %mul3A_507 = arith.constant 256 : i32
        %mul3A_508 = arith.muli %scan3A_459, %mul3A_507 : i32
        %add3A_509 = arith.constant 80 : i32
        %add3A_510 = arith.addi %mul3A_508, %add3A_509 : i32
        %add3A_511 = arith.constant 0 : i32
        %add3A_512 = arith.addi %add3A_511, %add3A_510 : i32
        %get3A_513 = arith.index_cast %add3A_512 : i32 to index
        %get3A_514 = tpu.vector_load %arg6[%get3A_513] {strides = array<i32>} : memref<4112xi32, #tpu.memory_space<vmem>>, vector<16xi32>,
        %add3A_515 = arith.addi %add3A_506, %get3A_514 : vector<16xi32>
        %mul3A_516 = arith.constant 256 : i32
        %mul3A_517 = arith.muli %scan3A_459, %mul3A_516 : i32
        %add3A_518 = arith.constant 96 : i32
        %add3A_519 = arith.addi %mul3A_517, %add3A_518 : i32
        %add3A_520 = arith.constant 0 : i32
        %add3A_521 = arith.addi %add3A_520, %add3A_519 : i32
        %get3A_522 = arith.index_cast %add3A_521 : i32 to index
        %get3A_523 = tpu.vector_load %arg6[%get3A_522] {strides = array<i32>} : memref<4112xi32, #tpu.memory_space<vmem>>, vector<16xi32>,
        %add3A_524 = arith.addi %add3A_515, %get3A_523 : vector<16xi32>
        %mul3A_525 = arith.constant 256 : i32
        %mul3A_526 = arith.muli %scan3A_459, %mul3A_525 : i32
        %add3A_527 = arith.constant 112 : i32
        %add3A_528 = arith.addi %mul3A_526, %add3A_527 : i32
        %add3A_529 = arith.constant 0 : i32
        %add3A_530 = arith.addi %add3A_529, %add3A_528 : i32
        %get3A_531 = arith.index_cast %add3A_530 : i32 to index
        %get3A_532 = tpu.vector_load %arg6[%get3A_531] {strides = array<i32>} : memref<4112xi32, #tpu.memory_space<vmem>>, vector<16xi32>,
        %add3A_533 = arith.addi %add3A_524, %get3A_532 : vector<16xi32>
        %mul3A_534 = arith.constant 256 : i32
        %mul3A_535 = arith.muli %scan3A_459, %mul3A_534 : i32
        %add3A_536 = arith.constant 128 : i32
        %add3A_537 = arith.addi %mul3A_535, %add3A_536 : i32
        %add3A_538 = arith.constant 0 : i32
        %add3A_539 = arith.addi %add3A_538, %add3A_537 : i32
        %get3A_540 = arith.index_cast %add3A_539 : i32 to index
        %get3A_541 = tpu.vector_load %arg6[%get3A_540] {strides = array<i32>} : memref<4112xi32, #tpu.memory_space<vmem>>, vector<16xi32>,
        %add3A_542 = arith.addi %add3A_533, %get3A_541 : vector<16xi32>
        %mul3A_543 = arith.constant 256 : i32
        %mul3A_544 = arith.muli %scan3A_459, %mul3A_543 : i32
        %add3A_545 = arith.constant 144 : i32
        %add3A_546 = arith.addi %mul3A_544, %add3A_545 : i32
        %add3A_547 = arith.constant 0 : i32
        %add3A_548 = arith.addi %add3A_547, %add3A_546 : i32
        %get3A_549 = arith.index_cast %add3A_548 : i32 to index
        %get3A_550 = tpu.vector_load %arg6[%get3A_549] {strides = array<i32>} : memref<4112xi32, #tpu.memory_space<vmem>>, vector<16xi32>,
        %add3A_551 = arith.addi %add3A_542, %get3A_550 : vector<16xi32>
        %mul3A_552 = arith.constant 256 : i32
        %mul3A_553 = arith.muli %scan3A_459, %mul3A_552 : i32
        %add3A_554 = arith.constant 160 : i32
        %add3A_555 = arith.addi %mul3A_553, %add3A_554 : i32
        %add3A_556 = arith.constant 0 : i32
        %add3A_557 = arith.addi %add3A_556, %add3A_555 : i32
        %get3A_558 = arith.index_cast %add3A_557 : i32 to index
        %get3A_559 = tpu.vector_load %arg6[%get3A_558] {strides = array<i32>} : memref<4112xi32, #tpu.memory_space<vmem>>, vector<16xi32>,
        %add3A_560 = arith.addi %add3A_551, %get3A_559 : vector<16xi32>
        %mul3A_561 = arith.constant 256 : i32
        %mul3A_562 = arith.muli %scan3A_459, %mul3A_561 : i32
        %add3A_563 = arith.constant 176 : i32
        %add3A_564 = arith.addi %mul3A_562, %add3A_563 : i32
        %add3A_565 = arith.constant 0 : i32
        %add3A_566 = arith.addi %add3A_565, %add3A_564 : i32
        %get3A_567 = arith.index_cast %add3A_566 : i32 to index
        %get3A_568 = tpu.vector_load %arg6[%get3A_567] {strides = array<i32>} : memref<4112xi32, #tpu.memory_space<vmem>>, vector<16xi32>,
        %add3A_569 = arith.addi %add3A_560, %get3A_568 : vector<16xi32>
        %mul3A_570 = arith.constant 256 : i32
        %mul3A_571 = arith.muli %scan3A_459, %mul3A_570 : i32
        %add3A_572 = arith.constant 192 : i32
        %add3A_573 = arith.addi %mul3A_571, %add3A_572 : i32
        %add3A_574 = arith.constant 0 : i32
        %add3A_575 = arith.addi %add3A_574, %add3A_573 : i32
        %get3A_576 = arith.index_cast %add3A_575 : i32 to index
        %get3A_577 = tpu.vector_load %arg6[%get3A_576] {strides = array<i32>} : memref<4112xi32, #tpu.memory_space<vmem>>, vector<16xi32>,
        %add3A_578 = arith.addi %add3A_569, %get3A_577 : vector<16xi32>
        %mul3A_579 = arith.constant 256 : i32
        %mul3A_580 = arith.muli %scan3A_459, %mul3A_579 : i32
        %add3A_581 = arith.constant 208 : i32
        %add3A_582 = arith.addi %mul3A_580, %add3A_581 : i32
        %add3A_583 = arith.constant 0 : i32
        %add3A_584 = arith.addi %add3A_583, %add3A_582 : i32
        %get3A_585 = arith.index_cast %add3A_584 : i32 to index
        %get3A_586 = tpu.vector_load %arg6[%get3A_585] {strides = array<i32>} : memref<4112xi32, #tpu.memory_space<vmem>>, vector<16xi32>,
        %add3A_587 = arith.addi %add3A_578, %get3A_586 : vector<16xi32>
        %mul3A_588 = arith.constant 256 : i32
        %mul3A_589 = arith.muli %scan3A_459, %mul3A_588 : i32
        %add3A_590 = arith.constant 224 : i32
        %add3A_591 = arith.addi %mul3A_589, %add3A_590 : i32
        %add3A_592 = arith.constant 0 : i32
        %add3A_593 = arith.addi %add3A_592, %add3A_591 : i32
        %get3A_594 = arith.index_cast %add3A_593 : i32 to index
        %get3A_595 = tpu.vector_load %arg6[%get3A_594] {strides = array<i32>} : memref<4112xi32, #tpu.memory_space<vmem>>, vector<16xi32>,
        %add3A_596 = arith.addi %add3A_587, %get3A_595 : vector<16xi32>
        %mul3A_597 = arith.constant 256 : i32
        %mul3A_598 = arith.muli %scan3A_459, %mul3A_597 : i32
        %add3A_599 = arith.constant 240 : i32
        %add3A_600 = arith.addi %mul3A_598, %add3A_599 : i32
        %add3A_601 = arith.constant 0 : i32
        %add3A_602 = arith.addi %add3A_601, %add3A_600 : i32
        %get3A_603 = arith.index_cast %add3A_602 : i32 to index
        %get3A_604 = tpu.vector_load %arg6[%get3A_603] {strides = array<i32>} : memref<4112xi32, #tpu.memory_space<vmem>>, vector<16xi32>,
        %add3A_605 = arith.addi %add3A_596, %get3A_604 : vector<16xi32>
        %broadcast_in_dim3A_606 = arith.constant true
        %broadcast_in_dim3A_607 = vector.broadcast %broadcast_in_dim3A_606 : i1 to vector<16xi1>
        %masked_cumsum3A_608 = tpu.scan <sum>, %add3A_605 masked %broadcast_in_dim3A_607 : vector<16xi32>, vector<16xi1> -> vector<16xi32>
        %mul3A_609 = arith.constant 16 : i32
        %mul3A_610 = arith.muli %scan3A_459, %mul3A_609 : i32
        %add3A_611 = arith.constant 16 : i32
        %add3A_612 = arith.addi %add3A_611, %mul3A_610 : i32
        %swap3A_613 = arith.index_cast %add3A_612 : i32 to index
        %swap3A_614 = tpu.vector_load %arg7[%swap3A_613] {strides = array<i32>} : memref<272xi32, #tpu.memory_space<vmem>>, vector<16xi32>,
        tpu.vector_store %arg7[%swap3A_613], %masked_cumsum3A_608 {strides = array<i32>} : memref<272xi32, #tpu.memory_space<vmem>>, vector<16xi32>,
        %scan3A_615 = arith.constant 0 : i32
        scf.yield %scan3A_615 : i32
      }
      %scan3A_70 = arith.constant 16 : i32
      %add3A_71 = arith.constant 16 : i32
      %add3A_72 = vector.broadcast %add3A_71 : i32 to vector<16xi32>
      %add3A_73 = arith.addi %add3A_72, %add3A_12 : vector<16xi32>
      %gather3A = tpu.vector_load_idx %arg7[%add3A_73] : memref<272xi32, #tpu.memory_space<vmem>>[vector<16xi32>], vector<16xi32>,
      %rev3A = arith.constant 15 : i32
      %rev3A_74 = vector.broadcast %rev3A : i32 to vector<16xi32>
      %rev3A_75 = tpu.iota {dimensions = array<i32: 0>} : vector<16xi32>
      %rev3A_76 = arith.subi %rev3A_74, %rev3A_75 : vector<16xi32>
      %rev3A_77 = tpu.dynamic_gather %gather3A[%rev3A_76] in [0] : vector<16xi32>, vector<16xi32> -> vector<16xi32>
      %broadcast_in_dim3A_78 = arith.constant true
      %broadcast_in_dim3A_79 = vector.broadcast %broadcast_in_dim3A_78 : i1 to vector<16xi1>
      %masked_cumsum3A = tpu.scan <sum>, %rev3A_77 masked %broadcast_in_dim3A_79 : vector<16xi32>, vector<16xi1> -> vector<16xi32>
      %ge3A = arith.cmpi sge, %masked_cumsum3A, %broadcast_in_dim3A_63 : vector<16xi32>
      %all_reduce_ffs3A = tpu.all_reduce %ge3A {dim = 0 : i64, kind = #tpu.reduction_kind<find_first_set>} : vector<16xi1> -> vector<16xi32>
      %sub3A_80 = arith.subi %masked_cumsum3A, %rev3A_77 : vector<16xi32>
      %swap3A = arith.constant 0 : index
      %swap3A_81 = tpu.vector_load %arg7[%swap3A] {strides = array<i32>} : memref<272xi32, #tpu.memory_space<vmem>>, vector<16xi32>,
      tpu.vector_store %arg7[%swap3A], %sub3A_80 {strides = array<i32>} : memref<272xi32, #tpu.memory_space<vmem>>, vector<16xi32>,
      %gather3A_82 = tpu.vector_load_idx %arg7[%all_reduce_ffs3A] : memref<272xi32, #tpu.memory_space<vmem>>[vector<16xi32>], vector<16xi32>,
      %sub3A_83 = arith.constant 15 : i32
      %sub3A_84 = vector.broadcast %sub3A_83 : i32 to vector<16xi32>
      %sub3A_85 = arith.subi %sub3A_84, %all_reduce_ffs3A : vector<16xi32>
      %sub3A_86 = arith.subi %broadcast_in_dim3A_63, %gather3A_82 : vector<16xi32>
      %reduce_max3A = arith.constant true
      %reduce_max3A_87 = vector.broadcast %reduce_max3A : i1 to vector<16xi1>
      %reduce_max3A_88 = arith.constant -2147483648 : i32
      %reduce_max3A_89 = vector.broadcast %reduce_max3A_88 : i32 to vector<16xi32>
      %reduce_max3A_90 = arith.xori %sub3A_85, %reduce_max3A_89 : vector<16xi32>
      %reduce_max3A_91 = tpu.scan <max>, %reduce_max3A_90 masked %reduce_max3A_87 : vector<16xi32>, vector<16xi1> -> vector<16xi32>
      %reduce_max3A_92 = arith.xori %reduce_max3A_91, %reduce_max3A_89 : vector<16xi32>
      %reduce_max3A_93 = vector.extract %reduce_max3A_92[15] : i32 from vector<16xi32>
      %scan3A_94 = arith.constant 0 : i32
      %scan3A_95 = arith.constant 0 : i32
      %scan3A_96 = arith.constant 16 : i32
      %scan3A_97 = arith.addi %scan3A_95, %scan3A_96 : i32
      %scan3A_98 = arith.constant 2 : i32
      %scan3A_99 = scf.for %scan3A_301 = %scan3A_95 to %scan3A_97 step %scan3A_98 iter_args(%scan3A_302 = %scan3A_94) -> (i32)  : i32 {
        %mul3A_303 = arith.constant 256 : i32
        %mul3A_304 = arith.muli %reduce_max3A_93, %mul3A_303 : i32
        %mul3A_305 = arith.constant 16 : i32
        %mul3A_306 = arith.muli %scan3A_301, %mul3A_305 : i32
        %add3A_307 = arith.addi %mul3A_304, %mul3A_306 : i32
        %get3A = arith.index_cast %add3A_307 : i32 to index
        %get3A_308 = tpu.vector_load %arg6[%get3A] {strides = array<i32>} : memref<4112xi32, #tpu.memory_space<vmem>>, vector<16xi32>,
        %broadcast_in_dim3A_309 = arith.constant true
        %broadcast_in_dim3A_310 = vector.broadcast %broadcast_in_dim3A_309 : i1 to vector<16xi1>
        %masked_cumsum3A_311 = tpu.scan <sum>, %get3A_308 masked %broadcast_in_dim3A_310 : vector<16xi32>, vector<16xi1> -> vector<16xi32>
        %mul3A_312 = arith.constant 16 : i32
        %mul3A_313 = arith.muli %scan3A_301, %mul3A_312 : i32
        %add3A_314 = arith.constant 16 : i32
        %add3A_315 = arith.addi %add3A_314, %mul3A_313 : i32
        %swap3A_316 = arith.index_cast %add3A_315 : i32 to index
        %swap3A_317 = tpu.vector_load %arg7[%swap3A_316] {strides = array<i32>} : memref<272xi32, #tpu.memory_space<vmem>>, vector<16xi32>,
        tpu.vector_store %arg7[%swap3A_316], %masked_cumsum3A_311 {strides = array<i32>} : memref<272xi32, #tpu.memory_space<vmem>>, vector<16xi32>,
        %scan3A_318 = arith.constant 0 : i32
        %scan3A_319 = arith.constant 1 : i32
        %scan3A_320 = arith.addi %scan3A_301, %scan3A_319 : i32
        %mul3A_321 = arith.constant 256 : i32
        %mul3A_322 = arith.muli %reduce_max3A_93, %mul3A_321 : i32
        %mul3A_323 = arith.constant 16 : i32
        %mul3A_324 = arith.muli %scan3A_320, %mul3A_323 : i32
        %add3A_325 = arith.addi %mul3A_322, %mul3A_324 : i32
        %get3A_326 = arith.index_cast %add3A_325 : i32 to index
        %get3A_327 = tpu.vector_load %arg6[%get3A_326] {strides = array<i32>} : memref<4112xi32, #tpu.memory_space<vmem>>, vector<16xi32>,
        %broadcast_in_dim3A_328 = arith.constant true
        %broadcast_in_dim3A_329 = vector.broadcast %broadcast_in_dim3A_328 : i1 to vector<16xi1>
        %masked_cumsum3A_330 = tpu.scan <sum>, %get3A_327 masked %broadcast_in_dim3A_329 : vector<16xi32>, vector<16xi1> -> vector<16xi32>
        %mul3A_331 = arith.constant 16 : i32
        %mul3A_332 = arith.muli %scan3A_320, %mul3A_331 : i32
        %add3A_333 = arith.constant 16 : i32
        %add3A_334 = arith.addi %add3A_333, %mul3A_332 : i32
        %swap3A_335 = arith.index_cast %add3A_334 : i32 to index
        %swap3A_336 = tpu.vector_load %arg7[%swap3A_335] {strides = array<i32>} : memref<272xi32, #tpu.memory_space<vmem>>, vector<16xi32>,
        tpu.vector_store %arg7[%swap3A_335], %masked_cumsum3A_330 {strides = array<i32>} : memref<272xi32, #tpu.memory_space<vmem>>, vector<16xi32>,
        %scan3A_337 = arith.constant 0 : i32
        scf.yield %scan3A_337 : i32
      }
      %scan3A_100 = arith.constant 16 : i32
      %add3A_101 = arith.constant 16 : i32
      %add3A_102 = vector.broadcast %add3A_101 : i32 to vector<16xi32>
      %add3A_103 = arith.addi %add3A_102, %add3A_12 : vector<16xi32>
      %gather3A_104 = tpu.vector_load_idx %arg7[%add3A_103] : memref<272xi32, #tpu.memory_space<vmem>>[vector<16xi32>], vector<16xi32>,
      %rev3A_105 = arith.constant 15 : i32
      %rev3A_106 = vector.broadcast %rev3A_105 : i32 to vector<16xi32>
      %rev3A_107 = tpu.iota {dimensions = array<i32: 0>} : vector<16xi32>
      %rev3A_108 = arith.subi %rev3A_106, %rev3A_107 : vector<16xi32>
      %rev3A_109 = tpu.dynamic_gather %gather3A_104[%rev3A_108] in [0] : vector<16xi32>, vector<16xi32> -> vector<16xi32>
      %broadcast_in_dim3A_110 = arith.constant true
      %broadcast_in_dim3A_111 = vector.broadcast %broadcast_in_dim3A_110 : i1 to vector<16xi1>
      %masked_cumsum3A_112 = tpu.scan <sum>, %rev3A_109 masked %broadcast_in_dim3A_111 : vector<16xi32>, vector<16xi1> -> vector<16xi32>
      %ge3A_113 = arith.cmpi sge, %masked_cumsum3A_112, %sub3A_86 : vector<16xi32>
      %all_reduce_ffs3A_114 = tpu.all_reduce %ge3A_113 {dim = 0 : i64, kind = #tpu.reduction_kind<find_first_set>} : vector<16xi1> -> vector<16xi32>
      %sub3A_115 = arith.subi %masked_cumsum3A_112, %rev3A_109 : vector<16xi32>
      %swap3A_116 = arith.constant 0 : index
      %swap3A_117 = tpu.vector_load %arg7[%swap3A_116] {strides = array<i32>} : memref<272xi32, #tpu.memory_space<vmem>>, vector<16xi32>,
      tpu.vector_store %arg7[%swap3A_116], %sub3A_115 {strides = array<i32>} : memref<272xi32, #tpu.memory_space<vmem>>, vector<16xi32>,
      %gather3A_118 = tpu.vector_load_idx %arg7[%all_reduce_ffs3A_114] : memref<272xi32, #tpu.memory_space<vmem>>[vector<16xi32>], vector<16xi32>,
      %sub3A_119 = arith.constant 15 : i32
      %sub3A_120 = vector.broadcast %sub3A_119 : i32 to vector<16xi32>
      %sub3A_121 = arith.subi %sub3A_120, %all_reduce_ffs3A_114 : vector<16xi32>
      %sub3A_122 = arith.subi %sub3A_86, %gather3A_118 : vector<16xi32>
      %mul3A_123 = arith.constant 16 : i32
      %mul3A_124 = vector.broadcast %mul3A_123 : i32 to vector<16xi32>
      %mul3A_125 = arith.muli %sub3A_85, %mul3A_124 : vector<16xi32>
      %add3A_126 = arith.addi %mul3A_125, %sub3A_121 : vector<16xi32>
      %shift_left3A = arith.constant 24 : i32
      %shift_left3A_127 = vector.broadcast %shift_left3A : i32 to vector<16xi32>
      %shift_left3A_128 = arith.shli %add3A_126, %shift_left3A_127 : vector<16xi32>
      %parallel_loop3A_129 = arith.constant 0 : i32
      %parallel_loop3A_130 = arith.constant 257 : i32
      %parallel_loop3A_131 = arith.constant 1 : i32
      scf.for %parallel_loop3A_301 = %parallel_loop3A_129 to %parallel_loop3A_130 step %parallel_loop3A_131  : i32 {
        %parallel_loop3A_302 = arith.constant 0 : i32
        %parallel_loop3A_303 = vector.broadcast %parallel_loop3A_302 : i32 to vector<16xi32>
        %parallel_loop3A_304 = arith.constant 16 : i32
        %parallel_loop3A_305 = arith.muli %parallel_loop3A_301, %parallel_loop3A_304 : i32
        %parallel_loop3A_306 = arith.index_cast %parallel_loop3A_305 : i32 to index
        %parallel_loop3A_307 = tpu.vector_load %arg6[%parallel_loop3A_306] {strides = array<i32>} : memref<4112xi32, #tpu.memory_space<vmem>>, vector<16xi32>,
        tpu.vector_store %arg6[%parallel_loop3A_306], %parallel_loop3A_303 {strides = array<i32>} : memref<4112xi32, #tpu.memory_space<vmem>>, vector<16xi32>,
      } {sc.loop_unroll_factor = 4 : i64, sc.parallel_access}
      %parallel_loop3A_132 = arith.constant 0 : i32
      %parallel_loop3A_133 = arith.constant 2048 : i32
      %parallel_loop3A_134 = arith.constant 1 : i32
      scf.for %parallel_loop3A_301 = %parallel_loop3A_132 to %parallel_loop3A_133 step %parallel_loop3A_134  : i32 {
        %parallel_loop3A_302 = arith.constant 0 : i32
        %parallel_loop3A_303 = arith.addi %parallel_loop3A_301, %parallel_loop3A_302 : i32
        %parallel_loop3A_304 = arith.constant 16 : i32
        %parallel_loop3A_305 = arith.muli %parallel_loop3A_303, %parallel_loop3A_304 : i32
        %parallel_loop3A_306 = arith.index_cast %parallel_loop3A_305 : i32 to index
        %parallel_loop3A_307 = tpu.vector_load %arg5[%parallel_loop3A_306] {strides = array<i32>} : memref<32768xi32, #tpu.memory_space<vmem>>, vector<16xi32>,
        %parallel_loop3A_308 = arith.subi %parallel_loop3A_307, %shift_left3A_128 : vector<16xi32>
        %parallel_loop3A_309 = arith.constant 12 : i32
        %parallel_loop3A_310 = vector.broadcast %parallel_loop3A_309 : i32 to vector<16xi32>
        %parallel_loop3A_311 = arith.shrui %parallel_loop3A_308, %parallel_loop3A_310 : vector<16xi32>
        %parallel_loop3A_312 = arith.constant 4096 : i32
        %parallel_loop3A_313 = vector.broadcast %parallel_loop3A_312 : i32 to vector<16xi32>
        %parallel_loop3A_314 = arith.minui %parallel_loop3A_311, %parallel_loop3A_313 : vector<16xi32>
        %parallel_loop3A_315 = arith.constant 8176 : i32
        %parallel_loop3A_316 = vector.broadcast %parallel_loop3A_315 : i32 to vector<16xi32>
        %parallel_loop3A_317 = arith.andi %parallel_loop3A_314, %parallel_loop3A_316 : vector<16xi32>
        %parallel_loop3A_318 = arith.addi %parallel_loop3A_317, %add3A_4 : vector<16xi32>
        tpu.vector_store_idx %arg6[%parallel_loop3A_318], %broadcast_in_dim3A_1 {add = true} : memref<4112xi32, #tpu.memory_space<vmem>>[vector<16xi32>], vector<16xi32>,
      } {sc.loop_unroll_factor = 8 : i64, sc.parallel_access}
      %scan3A_135 = arith.constant 0 : i32
      %scan3A_136 = arith.constant 0 : i32
      %scan3A_137 = arith.constant 16 : i32
      %scan3A_138 = arith.addi %scan3A_136, %scan3A_137 : i32
      %scan3A_139 = arith.constant 2 : i32
      %scan3A_140 = scf.for %scan3A_301 = %scan3A_136 to %scan3A_138 step %scan3A_139 iter_args(%scan3A_302 = %scan3A_135) -> (i32)  : i32 {
        %broadcast_in_dim3A_303 = arith.constant 0 : i32
        %broadcast_in_dim3A_304 = vector.broadcast %broadcast_in_dim3A_303 : i32 to vector<16xi32>
        %mul3A_305 = arith.constant 256 : i32
        %mul3A_306 = arith.muli %scan3A_301, %mul3A_305 : i32
        %add3A_307 = arith.constant 0 : i32
        %add3A_308 = arith.addi %mul3A_306, %add3A_307 : i32
        %add3A_309 = arith.constant 0 : i32
        %add3A_310 = arith.addi %add3A_309, %add3A_308 : i32
        %get3A = arith.index_cast %add3A_310 : i32 to index
        %get3A_311 = tpu.vector_load %arg6[%get3A] {strides = array<i32>} : memref<4112xi32, #tpu.memory_space<vmem>>, vector<16xi32>,
        %add3A_312 = arith.addi %broadcast_in_dim3A_304, %get3A_311 : vector<16xi32>
        %mul3A_313 = arith.constant 256 : i32
        %mul3A_314 = arith.muli %scan3A_301, %mul3A_313 : i32
        %add3A_315 = arith.constant 16 : i32
        %add3A_316 = arith.addi %mul3A_314, %add3A_315 : i32
        %add3A_317 = arith.constant 0 : i32
        %add3A_318 = arith.addi %add3A_317, %add3A_316 : i32
        %get3A_319 = arith.index_cast %add3A_318 : i32 to index
        %get3A_320 = tpu.vector_load %arg6[%get3A_319] {strides = array<i32>} : memref<4112xi32, #tpu.memory_space<vmem>>, vector<16xi32>,
        %add3A_321 = arith.addi %add3A_312, %get3A_320 : vector<16xi32>
        %mul3A_322 = arith.constant 256 : i32
        %mul3A_323 = arith.muli %scan3A_301, %mul3A_322 : i32
        %add3A_324 = arith.constant 32 : i32
        %add3A_325 = arith.addi %mul3A_323, %add3A_324 : i32
        %add3A_326 = arith.constant 0 : i32
        %add3A_327 = arith.addi %add3A_326, %add3A_325 : i32
        %get3A_328 = arith.index_cast %add3A_327 : i32 to index
        %get3A_329 = tpu.vector_load %arg6[%get3A_328] {strides = array<i32>} : memref<4112xi32, #tpu.memory_space<vmem>>, vector<16xi32>,
        %add3A_330 = arith.addi %add3A_321, %get3A_329 : vector<16xi32>
        %mul3A_331 = arith.constant 256 : i32
        %mul3A_332 = arith.muli %scan3A_301, %mul3A_331 : i32
        %add3A_333 = arith.constant 48 : i32
        %add3A_334 = arith.addi %mul3A_332, %add3A_333 : i32
        %add3A_335 = arith.constant 0 : i32
        %add3A_336 = arith.addi %add3A_335, %add3A_334 : i32
        %get3A_337 = arith.index_cast %add3A_336 : i32 to index
        %get3A_338 = tpu.vector_load %arg6[%get3A_337] {strides = array<i32>} : memref<4112xi32, #tpu.memory_space<vmem>>, vector<16xi32>,
        %add3A_339 = arith.addi %add3A_330, %get3A_338 : vector<16xi32>
        %mul3A_340 = arith.constant 256 : i32
        %mul3A_341 = arith.muli %scan3A_301, %mul3A_340 : i32
        %add3A_342 = arith.constant 64 : i32
        %add3A_343 = arith.addi %mul3A_341, %add3A_342 : i32
        %add3A_344 = arith.constant 0 : i32
        %add3A_345 = arith.addi %add3A_344, %add3A_343 : i32
        %get3A_346 = arith.index_cast %add3A_345 : i32 to index
        %get3A_347 = tpu.vector_load %arg6[%get3A_346] {strides = array<i32>} : memref<4112xi32, #tpu.memory_space<vmem>>, vector<16xi32>,
        %add3A_348 = arith.addi %add3A_339, %get3A_347 : vector<16xi32>
        %mul3A_349 = arith.constant 256 : i32
        %mul3A_350 = arith.muli %scan3A_301, %mul3A_349 : i32
        %add3A_351 = arith.constant 80 : i32
        %add3A_352 = arith.addi %mul3A_350, %add3A_351 : i32
        %add3A_353 = arith.constant 0 : i32
        %add3A_354 = arith.addi %add3A_353, %add3A_352 : i32
        %get3A_355 = arith.index_cast %add3A_354 : i32 to index
        %get3A_356 = tpu.vector_load %arg6[%get3A_355] {strides = array<i32>} : memref<4112xi32, #tpu.memory_space<vmem>>, vector<16xi32>,
        %add3A_357 = arith.addi %add3A_348, %get3A_356 : vector<16xi32>
        %mul3A_358 = arith.constant 256 : i32
        %mul3A_359 = arith.muli %scan3A_301, %mul3A_358 : i32
        %add3A_360 = arith.constant 96 : i32
        %add3A_361 = arith.addi %mul3A_359, %add3A_360 : i32
        %add3A_362 = arith.constant 0 : i32
        %add3A_363 = arith.addi %add3A_362, %add3A_361 : i32
        %get3A_364 = arith.index_cast %add3A_363 : i32 to index
        %get3A_365 = tpu.vector_load %arg6[%get3A_364] {strides = array<i32>} : memref<4112xi32, #tpu.memory_space<vmem>>, vector<16xi32>,
        %add3A_366 = arith.addi %add3A_357, %get3A_365 : vector<16xi32>
        %mul3A_367 = arith.constant 256 : i32
        %mul3A_368 = arith.muli %scan3A_301, %mul3A_367 : i32
        %add3A_369 = arith.constant 112 : i32
        %add3A_370 = arith.addi %mul3A_368, %add3A_369 : i32
        %add3A_371 = arith.constant 0 : i32
        %add3A_372 = arith.addi %add3A_371, %add3A_370 : i32
        %get3A_373 = arith.index_cast %add3A_372 : i32 to index
        %get3A_374 = tpu.vector_load %arg6[%get3A_373] {strides = array<i32>} : memref<4112xi32, #tpu.memory_space<vmem>>, vector<16xi32>,
        %add3A_375 = arith.addi %add3A_366, %get3A_374 : vector<16xi32>
        %mul3A_376 = arith.constant 256 : i32
        %mul3A_377 = arith.muli %scan3A_301, %mul3A_376 : i32
        %add3A_378 = arith.constant 128 : i32
        %add3A_379 = arith.addi %mul3A_377, %add3A_378 : i32
        %add3A_380 = arith.constant 0 : i32
        %add3A_381 = arith.addi %add3A_380, %add3A_379 : i32
        %get3A_382 = arith.index_cast %add3A_381 : i32 to index
        %get3A_383 = tpu.vector_load %arg6[%get3A_382] {strides = array<i32>} : memref<4112xi32, #tpu.memory_space<vmem>>, vector<16xi32>,
        %add3A_384 = arith.addi %add3A_375, %get3A_383 : vector<16xi32>
        %mul3A_385 = arith.constant 256 : i32
        %mul3A_386 = arith.muli %scan3A_301, %mul3A_385 : i32
        %add3A_387 = arith.constant 144 : i32
        %add3A_388 = arith.addi %mul3A_386, %add3A_387 : i32
        %add3A_389 = arith.constant 0 : i32
        %add3A_390 = arith.addi %add3A_389, %add3A_388 : i32
        %get3A_391 = arith.index_cast %add3A_390 : i32 to index
        %get3A_392 = tpu.vector_load %arg6[%get3A_391] {strides = array<i32>} : memref<4112xi32, #tpu.memory_space<vmem>>, vector<16xi32>,
        %add3A_393 = arith.addi %add3A_384, %get3A_392 : vector<16xi32>
        %mul3A_394 = arith.constant 256 : i32
        %mul3A_395 = arith.muli %scan3A_301, %mul3A_394 : i32
        %add3A_396 = arith.constant 160 : i32
        %add3A_397 = arith.addi %mul3A_395, %add3A_396 : i32
        %add3A_398 = arith.constant 0 : i32
        %add3A_399 = arith.addi %add3A_398, %add3A_397 : i32
        %get3A_400 = arith.index_cast %add3A_399 : i32 to index
        %get3A_401 = tpu.vector_load %arg6[%get3A_400] {strides = array<i32>} : memref<4112xi32, #tpu.memory_space<vmem>>, vector<16xi32>,
        %add3A_402 = arith.addi %add3A_393, %get3A_401 : vector<16xi32>
        %mul3A_403 = arith.constant 256 : i32
        %mul3A_404 = arith.muli %scan3A_301, %mul3A_403 : i32
        %add3A_405 = arith.constant 176 : i32
        %add3A_406 = arith.addi %mul3A_404, %add3A_405 : i32
        %add3A_407 = arith.constant 0 : i32
        %add3A_408 = arith.addi %add3A_407, %add3A_406 : i32
        %get3A_409 = arith.index_cast %add3A_408 : i32 to index
        %get3A_410 = tpu.vector_load %arg6[%get3A_409] {strides = array<i32>} : memref<4112xi32, #tpu.memory_space<vmem>>, vector<16xi32>,
        %add3A_411 = arith.addi %add3A_402, %get3A_410 : vector<16xi32>
        %mul3A_412 = arith.constant 256 : i32
        %mul3A_413 = arith.muli %scan3A_301, %mul3A_412 : i32
        %add3A_414 = arith.constant 192 : i32
        %add3A_415 = arith.addi %mul3A_413, %add3A_414 : i32
        %add3A_416 = arith.constant 0 : i32
        %add3A_417 = arith.addi %add3A_416, %add3A_415 : i32
        %get3A_418 = arith.index_cast %add3A_417 : i32 to index
        %get3A_419 = tpu.vector_load %arg6[%get3A_418] {strides = array<i32>} : memref<4112xi32, #tpu.memory_space<vmem>>, vector<16xi32>,
        %add3A_420 = arith.addi %add3A_411, %get3A_419 : vector<16xi32>
        %mul3A_421 = arith.constant 256 : i32
        %mul3A_422 = arith.muli %scan3A_301, %mul3A_421 : i32
        %add3A_423 = arith.constant 208 : i32
        %add3A_424 = arith.addi %mul3A_422, %add3A_423 : i32
        %add3A_425 = arith.constant 0 : i32
        %add3A_426 = arith.addi %add3A_425, %add3A_424 : i32
        %get3A_427 = arith.index_cast %add3A_426 : i32 to index
        %get3A_428 = tpu.vector_load %arg6[%get3A_427] {strides = array<i32>} : memref<4112xi32, #tpu.memory_space<vmem>>, vector<16xi32>,
        %add3A_429 = arith.addi %add3A_420, %get3A_428 : vector<16xi32>
        %mul3A_430 = arith.constant 256 : i32
        %mul3A_431 = arith.muli %scan3A_301, %mul3A_430 : i32
        %add3A_432 = arith.constant 224 : i32
        %add3A_433 = arith.addi %mul3A_431, %add3A_432 : i32
        %add3A_434 = arith.constant 0 : i32
        %add3A_435 = arith.addi %add3A_434, %add3A_433 : i32
        %get3A_436 = arith.index_cast %add3A_435 : i32 to index
        %get3A_437 = tpu.vector_load %arg6[%get3A_436] {strides = array<i32>} : memref<4112xi32, #tpu.memory_space<vmem>>, vector<16xi32>,
        %add3A_438 = arith.addi %add3A_429, %get3A_437 : vector<16xi32>
        %mul3A_439 = arith.constant 256 : i32
        %mul3A_440 = arith.muli %scan3A_301, %mul3A_439 : i32
        %add3A_441 = arith.constant 240 : i32
        %add3A_442 = arith.addi %mul3A_440, %add3A_441 : i32
        %add3A_443 = arith.constant 0 : i32
        %add3A_444 = arith.addi %add3A_443, %add3A_442 : i32
        %get3A_445 = arith.index_cast %add3A_444 : i32 to index
        %get3A_446 = tpu.vector_load %arg6[%get3A_445] {strides = array<i32>} : memref<4112xi32, #tpu.memory_space<vmem>>, vector<16xi32>,
        %add3A_447 = arith.addi %add3A_438, %get3A_446 : vector<16xi32>
        %broadcast_in_dim3A_448 = arith.constant true
        %broadcast_in_dim3A_449 = vector.broadcast %broadcast_in_dim3A_448 : i1 to vector<16xi1>
        %masked_cumsum3A_450 = tpu.scan <sum>, %add3A_447 masked %broadcast_in_dim3A_449 : vector<16xi32>, vector<16xi1> -> vector<16xi32>
        %mul3A_451 = arith.constant 16 : i32
        %mul3A_452 = arith.muli %scan3A_301, %mul3A_451 : i32
        %add3A_453 = arith.constant 16 : i32
        %add3A_454 = arith.addi %add3A_453, %mul3A_452 : i32
        %swap3A_455 = arith.index_cast %add3A_454 : i32 to index
        %swap3A_456 = tpu.vector_load %arg7[%swap3A_455] {strides = array<i32>} : memref<272xi32, #tpu.memory_space<vmem>>, vector<16xi32>,
        tpu.vector_store %arg7[%swap3A_455], %masked_cumsum3A_450 {strides = array<i32>} : memref<272xi32, #tpu.memory_space<vmem>>, vector<16xi32>,
        %scan3A_457 = arith.constant 0 : i32
        %scan3A_458 = arith.constant 1 : i32
        %scan3A_459 = arith.addi %scan3A_301, %scan3A_458 : i32
        %broadcast_in_dim3A_460 = arith.constant 0 : i32
        %broadcast_in_dim3A_461 = vector.broadcast %broadcast_in_dim3A_460 : i32 to vector<16xi32>
        %mul3A_462 = arith.constant 256 : i32
        %mul3A_463 = arith.muli %scan3A_459, %mul3A_462 : i32
        %add3A_464 = arith.constant 0 : i32
        %add3A_465 = arith.addi %mul3A_463, %add3A_464 : i32
        %add3A_466 = arith.constant 0 : i32
        %add3A_467 = arith.addi %add3A_466, %add3A_465 : i32
        %get3A_468 = arith.index_cast %add3A_467 : i32 to index
        %get3A_469 = tpu.vector_load %arg6[%get3A_468] {strides = array<i32>} : memref<4112xi32, #tpu.memory_space<vmem>>, vector<16xi32>,
        %add3A_470 = arith.addi %broadcast_in_dim3A_461, %get3A_469 : vector<16xi32>
        %mul3A_471 = arith.constant 256 : i32
        %mul3A_472 = arith.muli %scan3A_459, %mul3A_471 : i32
        %add3A_473 = arith.constant 16 : i32
        %add3A_474 = arith.addi %mul3A_472, %add3A_473 : i32
        %add3A_475 = arith.constant 0 : i32
        %add3A_476 = arith.addi %add3A_475, %add3A_474 : i32
        %get3A_477 = arith.index_cast %add3A_476 : i32 to index
        %get3A_478 = tpu.vector_load %arg6[%get3A_477] {strides = array<i32>} : memref<4112xi32, #tpu.memory_space<vmem>>, vector<16xi32>,
        %add3A_479 = arith.addi %add3A_470, %get3A_478 : vector<16xi32>
        %mul3A_480 = arith.constant 256 : i32
        %mul3A_481 = arith.muli %scan3A_459, %mul3A_480 : i32
        %add3A_482 = arith.constant 32 : i32
        %add3A_483 = arith.addi %mul3A_481, %add3A_482 : i32
        %add3A_484 = arith.constant 0 : i32
        %add3A_485 = arith.addi %add3A_484, %add3A_483 : i32
        %get3A_486 = arith.index_cast %add3A_485 : i32 to index
        %get3A_487 = tpu.vector_load %arg6[%get3A_486] {strides = array<i32>} : memref<4112xi32, #tpu.memory_space<vmem>>, vector<16xi32>,
        %add3A_488 = arith.addi %add3A_479, %get3A_487 : vector<16xi32>
        %mul3A_489 = arith.constant 256 : i32
        %mul3A_490 = arith.muli %scan3A_459, %mul3A_489 : i32
        %add3A_491 = arith.constant 48 : i32
        %add3A_492 = arith.addi %mul3A_490, %add3A_491 : i32
        %add3A_493 = arith.constant 0 : i32
        %add3A_494 = arith.addi %add3A_493, %add3A_492 : i32
        %get3A_495 = arith.index_cast %add3A_494 : i32 to index
        %get3A_496 = tpu.vector_load %arg6[%get3A_495] {strides = array<i32>} : memref<4112xi32, #tpu.memory_space<vmem>>, vector<16xi32>,
        %add3A_497 = arith.addi %add3A_488, %get3A_496 : vector<16xi32>
        %mul3A_498 = arith.constant 256 : i32
        %mul3A_499 = arith.muli %scan3A_459, %mul3A_498 : i32
        %add3A_500 = arith.constant 64 : i32
        %add3A_501 = arith.addi %mul3A_499, %add3A_500 : i32
        %add3A_502 = arith.constant 0 : i32
        %add3A_503 = arith.addi %add3A_502, %add3A_501 : i32
        %get3A_504 = arith.index_cast %add3A_503 : i32 to index
        %get3A_505 = tpu.vector_load %arg6[%get3A_504] {strides = array<i32>} : memref<4112xi32, #tpu.memory_space<vmem>>, vector<16xi32>,
        %add3A_506 = arith.addi %add3A_497, %get3A_505 : vector<16xi32>
        %mul3A_507 = arith.constant 256 : i32
        %mul3A_508 = arith.muli %scan3A_459, %mul3A_507 : i32
        %add3A_509 = arith.constant 80 : i32
        %add3A_510 = arith.addi %mul3A_508, %add3A_509 : i32
        %add3A_511 = arith.constant 0 : i32
        %add3A_512 = arith.addi %add3A_511, %add3A_510 : i32
        %get3A_513 = arith.index_cast %add3A_512 : i32 to index
        %get3A_514 = tpu.vector_load %arg6[%get3A_513] {strides = array<i32>} : memref<4112xi32, #tpu.memory_space<vmem>>, vector<16xi32>,
        %add3A_515 = arith.addi %add3A_506, %get3A_514 : vector<16xi32>
        %mul3A_516 = arith.constant 256 : i32
        %mul3A_517 = arith.muli %scan3A_459, %mul3A_516 : i32
        %add3A_518 = arith.constant 96 : i32
        %add3A_519 = arith.addi %mul3A_517, %add3A_518 : i32
        %add3A_520 = arith.constant 0 : i32
        %add3A_521 = arith.addi %add3A_520, %add3A_519 : i32
        %get3A_522 = arith.index_cast %add3A_521 : i32 to index
        %get3A_523 = tpu.vector_load %arg6[%get3A_522] {strides = array<i32>} : memref<4112xi32, #tpu.memory_space<vmem>>, vector<16xi32>,
        %add3A_524 = arith.addi %add3A_515, %get3A_523 : vector<16xi32>
        %mul3A_525 = arith.constant 256 : i32
        %mul3A_526 = arith.muli %scan3A_459, %mul3A_525 : i32
        %add3A_527 = arith.constant 112 : i32
        %add3A_528 = arith.addi %mul3A_526, %add3A_527 : i32
        %add3A_529 = arith.constant 0 : i32
        %add3A_530 = arith.addi %add3A_529, %add3A_528 : i32
        %get3A_531 = arith.index_cast %add3A_530 : i32 to index
        %get3A_532 = tpu.vector_load %arg6[%get3A_531] {strides = array<i32>} : memref<4112xi32, #tpu.memory_space<vmem>>, vector<16xi32>,
        %add3A_533 = arith.addi %add3A_524, %get3A_532 : vector<16xi32>
        %mul3A_534 = arith.constant 256 : i32
        %mul3A_535 = arith.muli %scan3A_459, %mul3A_534 : i32
        %add3A_536 = arith.constant 128 : i32
        %add3A_537 = arith.addi %mul3A_535, %add3A_536 : i32
        %add3A_538 = arith.constant 0 : i32
        %add3A_539 = arith.addi %add3A_538, %add3A_537 : i32
        %get3A_540 = arith.index_cast %add3A_539 : i32 to index
        %get3A_541 = tpu.vector_load %arg6[%get3A_540] {strides = array<i32>} : memref<4112xi32, #tpu.memory_space<vmem>>, vector<16xi32>,
        %add3A_542 = arith.addi %add3A_533, %get3A_541 : vector<16xi32>
        %mul3A_543 = arith.constant 256 : i32
        %mul3A_544 = arith.muli %scan3A_459, %mul3A_543 : i32
        %add3A_545 = arith.constant 144 : i32
        %add3A_546 = arith.addi %mul3A_544, %add3A_545 : i32
        %add3A_547 = arith.constant 0 : i32
        %add3A_548 = arith.addi %add3A_547, %add3A_546 : i32
        %get3A_549 = arith.index_cast %add3A_548 : i32 to index
        %get3A_550 = tpu.vector_load %arg6[%get3A_549] {strides = array<i32>} : memref<4112xi32, #tpu.memory_space<vmem>>, vector<16xi32>,
        %add3A_551 = arith.addi %add3A_542, %get3A_550 : vector<16xi32>
        %mul3A_552 = arith.constant 256 : i32
        %mul3A_553 = arith.muli %scan3A_459, %mul3A_552 : i32
        %add3A_554 = arith.constant 160 : i32
        %add3A_555 = arith.addi %mul3A_553, %add3A_554 : i32
        %add3A_556 = arith.constant 0 : i32
        %add3A_557 = arith.addi %add3A_556, %add3A_555 : i32
        %get3A_558 = arith.index_cast %add3A_557 : i32 to index
        %get3A_559 = tpu.vector_load %arg6[%get3A_558] {strides = array<i32>} : memref<4112xi32, #tpu.memory_space<vmem>>, vector<16xi32>,
        %add3A_560 = arith.addi %add3A_551, %get3A_559 : vector<16xi32>
        %mul3A_561 = arith.constant 256 : i32
        %mul3A_562 = arith.muli %scan3A_459, %mul3A_561 : i32
        %add3A_563 = arith.constant 176 : i32
        %add3A_564 = arith.addi %mul3A_562, %add3A_563 : i32
        %add3A_565 = arith.constant 0 : i32
        %add3A_566 = arith.addi %add3A_565, %add3A_564 : i32
        %get3A_567 = arith.index_cast %add3A_566 : i32 to index
        %get3A_568 = tpu.vector_load %arg6[%get3A_567] {strides = array<i32>} : memref<4112xi32, #tpu.memory_space<vmem>>, vector<16xi32>,
        %add3A_569 = arith.addi %add3A_560, %get3A_568 : vector<16xi32>
        %mul3A_570 = arith.constant 256 : i32
        %mul3A_571 = arith.muli %scan3A_459, %mul3A_570 : i32
        %add3A_572 = arith.constant 192 : i32
        %add3A_573 = arith.addi %mul3A_571, %add3A_572 : i32
        %add3A_574 = arith.constant 0 : i32
        %add3A_575 = arith.addi %add3A_574, %add3A_573 : i32
        %get3A_576 = arith.index_cast %add3A_575 : i32 to index
        %get3A_577 = tpu.vector_load %arg6[%get3A_576] {strides = array<i32>} : memref<4112xi32, #tpu.memory_space<vmem>>, vector<16xi32>,
        %add3A_578 = arith.addi %add3A_569, %get3A_577 : vector<16xi32>
        %mul3A_579 = arith.constant 256 : i32
        %mul3A_580 = arith.muli %scan3A_459, %mul3A_579 : i32
        %add3A_581 = arith.constant 208 : i32
        %add3A_582 = arith.addi %mul3A_580, %add3A_581 : i32
        %add3A_583 = arith.constant 0 : i32
        %add3A_584 = arith.addi %add3A_583, %add3A_582 : i32
        %get3A_585 = arith.index_cast %add3A_584 : i32 to index
        %get3A_586 = tpu.vector_load %arg6[%get3A_585] {strides = array<i32>} : memref<4112xi32, #tpu.memory_space<vmem>>, vector<16xi32>,
        %add3A_587 = arith.addi %add3A_578, %get3A_586 : vector<16xi32>
        %mul3A_588 = arith.constant 256 : i32
        %mul3A_589 = arith.muli %scan3A_459, %mul3A_588 : i32
        %add3A_590 = arith.constant 224 : i32
        %add3A_591 = arith.addi %mul3A_589, %add3A_590 : i32
        %add3A_592 = arith.constant 0 : i32
        %add3A_593 = arith.addi %add3A_592, %add3A_591 : i32
        %get3A_594 = arith.index_cast %add3A_593 : i32 to index
        %get3A_595 = tpu.vector_load %arg6[%get3A_594] {strides = array<i32>} : memref<4112xi32, #tpu.memory_space<vmem>>, vector<16xi32>,
        %add3A_596 = arith.addi %add3A_587, %get3A_595 : vector<16xi32>
        %mul3A_597 = arith.constant 256 : i32
        %mul3A_598 = arith.muli %scan3A_459, %mul3A_597 : i32
        %add3A_599 = arith.constant 240 : i32
        %add3A_600 = arith.addi %mul3A_598, %add3A_599 : i32
        %add3A_601 = arith.constant 0 : i32
        %add3A_602 = arith.addi %add3A_601, %add3A_600 : i32
        %get3A_603 = arith.index_cast %add3A_602 : i32 to index
        %get3A_604 = tpu.vector_load %arg6[%get3A_603] {strides = array<i32>} : memref<4112xi32, #tpu.memory_space<vmem>>, vector<16xi32>,
        %add3A_605 = arith.addi %add3A_596, %get3A_604 : vector<16xi32>
        %broadcast_in_dim3A_606 = arith.constant true
        %broadcast_in_dim3A_607 = vector.broadcast %broadcast_in_dim3A_606 : i1 to vector<16xi1>
        %masked_cumsum3A_608 = tpu.scan <sum>, %add3A_605 masked %broadcast_in_dim3A_607 : vector<16xi32>, vector<16xi1> -> vector<16xi32>
        %mul3A_609 = arith.constant 16 : i32
        %mul3A_610 = arith.muli %scan3A_459, %mul3A_609 : i32
        %add3A_611 = arith.constant 16 : i32
        %add3A_612 = arith.addi %add3A_611, %mul3A_610 : i32
        %swap3A_613 = arith.index_cast %add3A_612 : i32 to index
        %swap3A_614 = tpu.vector_load %arg7[%swap3A_613] {strides = array<i32>} : memref<272xi32, #tpu.memory_space<vmem>>, vector<16xi32>,
        tpu.vector_store %arg7[%swap3A_613], %masked_cumsum3A_608 {strides = array<i32>} : memref<272xi32, #tpu.memory_space<vmem>>, vector<16xi32>,
        %scan3A_615 = arith.constant 0 : i32
        scf.yield %scan3A_615 : i32
      }
      %scan3A_141 = arith.constant 16 : i32
      %add3A_142 = arith.constant 16 : i32
      %add3A_143 = vector.broadcast %add3A_142 : i32 to vector<16xi32>
      %add3A_144 = arith.addi %add3A_143, %add3A_12 : vector<16xi32>
      %gather3A_145 = tpu.vector_load_idx %arg7[%add3A_144] : memref<272xi32, #tpu.memory_space<vmem>>[vector<16xi32>], vector<16xi32>,
      %rev3A_146 = arith.constant 15 : i32
      %rev3A_147 = vector.broadcast %rev3A_146 : i32 to vector<16xi32>
      %rev3A_148 = tpu.iota {dimensions = array<i32: 0>} : vector<16xi32>
      %rev3A_149 = arith.subi %rev3A_147, %rev3A_148 : vector<16xi32>
      %rev3A_150 = tpu.dynamic_gather %gather3A_145[%rev3A_149] in [0] : vector<16xi32>, vector<16xi32> -> vector<16xi32>
      %broadcast_in_dim3A_151 = arith.constant true
      %broadcast_in_dim3A_152 = vector.broadcast %broadcast_in_dim3A_151 : i1 to vector<16xi1>
      %masked_cumsum3A_153 = tpu.scan <sum>, %rev3A_150 masked %broadcast_in_dim3A_152 : vector<16xi32>, vector<16xi1> -> vector<16xi32>
      %ge3A_154 = arith.cmpi sge, %masked_cumsum3A_153, %sub3A_122 : vector<16xi32>
      %all_reduce_ffs3A_155 = tpu.all_reduce %ge3A_154 {dim = 0 : i64, kind = #tpu.reduction_kind<find_first_set>} : vector<16xi1> -> vector<16xi32>
      %sub3A_156 = arith.subi %masked_cumsum3A_153, %rev3A_150 : vector<16xi32>
      %swap3A_157 = arith.constant 0 : index
      %swap3A_158 = tpu.vector_load %arg7[%swap3A_157] {strides = array<i32>} : memref<272xi32, #tpu.memory_space<vmem>>, vector<16xi32>,
      tpu.vector_store %arg7[%swap3A_157], %sub3A_156 {strides = array<i32>} : memref<272xi32, #tpu.memory_space<vmem>>, vector<16xi32>,
      %gather3A_159 = tpu.vector_load_idx %arg7[%all_reduce_ffs3A_155] : memref<272xi32, #tpu.memory_space<vmem>>[vector<16xi32>], vector<16xi32>,
      %sub3A_160 = arith.constant 15 : i32
      %sub3A_161 = vector.broadcast %sub3A_160 : i32 to vector<16xi32>
      %sub3A_162 = arith.subi %sub3A_161, %all_reduce_ffs3A_155 : vector<16xi32>
      %sub3A_163 = arith.subi %sub3A_122, %gather3A_159 : vector<16xi32>
      %reduce_max3A_164 = arith.constant true
      %reduce_max3A_165 = vector.broadcast %reduce_max3A_164 : i1 to vector<16xi1>
      %reduce_max3A_166 = arith.constant -2147483648 : i32
      %reduce_max3A_167 = vector.broadcast %reduce_max3A_166 : i32 to vector<16xi32>
      %reduce_max3A_168 = arith.xori %sub3A_162, %reduce_max3A_167 : vector<16xi32>
      %reduce_max3A_169 = tpu.scan <max>, %reduce_max3A_168 masked %reduce_max3A_165 : vector<16xi32>, vector<16xi1> -> vector<16xi32>
      %reduce_max3A_170 = arith.xori %reduce_max3A_169, %reduce_max3A_167 : vector<16xi32>
      %reduce_max3A_171 = vector.extract %reduce_max3A_170[15] : i32 from vector<16xi32>
      %scan3A_172 = arith.constant 0 : i32
      %scan3A_173 = arith.constant 0 : i32
      %scan3A_174 = arith.constant 16 : i32
      %scan3A_175 = arith.addi %scan3A_173, %scan3A_174 : i32
      %scan3A_176 = arith.constant 2 : i32
      %scan3A_177 = scf.for %scan3A_301 = %scan3A_173 to %scan3A_175 step %scan3A_176 iter_args(%scan3A_302 = %scan3A_172) -> (i32)  : i32 {
        %mul3A_303 = arith.constant 256 : i32
        %mul3A_304 = arith.muli %reduce_max3A_171, %mul3A_303 : i32
        %mul3A_305 = arith.constant 16 : i32
        %mul3A_306 = arith.muli %scan3A_301, %mul3A_305 : i32
        %add3A_307 = arith.addi %mul3A_304, %mul3A_306 : i32
        %get3A = arith.index_cast %add3A_307 : i32 to index
        %get3A_308 = tpu.vector_load %arg6[%get3A] {strides = array<i32>} : memref<4112xi32, #tpu.memory_space<vmem>>, vector<16xi32>,
        %broadcast_in_dim3A_309 = arith.constant true
        %broadcast_in_dim3A_310 = vector.broadcast %broadcast_in_dim3A_309 : i1 to vector<16xi1>
        %masked_cumsum3A_311 = tpu.scan <sum>, %get3A_308 masked %broadcast_in_dim3A_310 : vector<16xi32>, vector<16xi1> -> vector<16xi32>
        %mul3A_312 = arith.constant 16 : i32
        %mul3A_313 = arith.muli %scan3A_301, %mul3A_312 : i32
        %add3A_314 = arith.constant 16 : i32
        %add3A_315 = arith.addi %add3A_314, %mul3A_313 : i32
        %swap3A_316 = arith.index_cast %add3A_315 : i32 to index
        %swap3A_317 = tpu.vector_load %arg7[%swap3A_316] {strides = array<i32>} : memref<272xi32, #tpu.memory_space<vmem>>, vector<16xi32>,
        tpu.vector_store %arg7[%swap3A_316], %masked_cumsum3A_311 {strides = array<i32>} : memref<272xi32, #tpu.memory_space<vmem>>, vector<16xi32>,
        %scan3A_318 = arith.constant 0 : i32
        %scan3A_319 = arith.constant 1 : i32
        %scan3A_320 = arith.addi %scan3A_301, %scan3A_319 : i32
        %mul3A_321 = arith.constant 256 : i32
        %mul3A_322 = arith.muli %reduce_max3A_171, %mul3A_321 : i32
        %mul3A_323 = arith.constant 16 : i32
        %mul3A_324 = arith.muli %scan3A_320, %mul3A_323 : i32
        %add3A_325 = arith.addi %mul3A_322, %mul3A_324 : i32
        %get3A_326 = arith.index_cast %add3A_325 : i32 to index
        %get3A_327 = tpu.vector_load %arg6[%get3A_326] {strides = array<i32>} : memref<4112xi32, #tpu.memory_space<vmem>>, vector<16xi32>,
        %broadcast_in_dim3A_328 = arith.constant true
        %broadcast_in_dim3A_329 = vector.broadcast %broadcast_in_dim3A_328 : i1 to vector<16xi1>
        %masked_cumsum3A_330 = tpu.scan <sum>, %get3A_327 masked %broadcast_in_dim3A_329 : vector<16xi32>, vector<16xi1> -> vector<16xi32>
        %mul3A_331 = arith.constant 16 : i32
        %mul3A_332 = arith.muli %scan3A_320, %mul3A_331 : i32
        %add3A_333 = arith.constant 16 : i32
        %add3A_334 = arith.addi %add3A_333, %mul3A_332 : i32
        %swap3A_335 = arith.index_cast %add3A_334 : i32 to index
        %swap3A_336 = tpu.vector_load %arg7[%swap3A_335] {strides = array<i32>} : memref<272xi32, #tpu.memory_space<vmem>>, vector<16xi32>,
        tpu.vector_store %arg7[%swap3A_335], %masked_cumsum3A_330 {strides = array<i32>} : memref<272xi32, #tpu.memory_space<vmem>>, vector<16xi32>,
        %scan3A_337 = arith.constant 0 : i32
        scf.yield %scan3A_337 : i32
      }
      %scan3A_178 = arith.constant 16 : i32
      %add3A_179 = arith.constant 16 : i32
      %add3A_180 = vector.broadcast %add3A_179 : i32 to vector<16xi32>
      %add3A_181 = arith.addi %add3A_180, %add3A_12 : vector<16xi32>
      %gather3A_182 = tpu.vector_load_idx %arg7[%add3A_181] : memref<272xi32, #tpu.memory_space<vmem>>[vector<16xi32>], vector<16xi32>,
      %rev3A_183 = arith.constant 15 : i32
      %rev3A_184 = vector.broadcast %rev3A_183 : i32 to vector<16xi32>
      %rev3A_185 = tpu.iota {dimensions = array<i32: 0>} : vector<16xi32>
      %rev3A_186 = arith.subi %rev3A_184, %rev3A_185 : vector<16xi32>
      %rev3A_187 = tpu.dynamic_gather %gather3A_182[%rev3A_186] in [0] : vector<16xi32>, vector<16xi32> -> vector<16xi32>
      %broadcast_in_dim3A_188 = arith.constant true
      %broadcast_in_dim3A_189 = vector.broadcast %broadcast_in_dim3A_188 : i1 to vector<16xi1>
      %masked_cumsum3A_190 = tpu.scan <sum>, %rev3A_187 masked %broadcast_in_dim3A_189 : vector<16xi32>, vector<16xi1> -> vector<16xi32>
      %ge3A_191 = arith.cmpi sge, %masked_cumsum3A_190, %sub3A_163 : vector<16xi32>
      %all_reduce_ffs3A_192 = tpu.all_reduce %ge3A_191 {dim = 0 : i64, kind = #tpu.reduction_kind<find_first_set>} : vector<16xi1> -> vector<16xi32>
      %sub3A_193 = arith.subi %masked_cumsum3A_190, %rev3A_187 : vector<16xi32>
      %swap3A_194 = arith.constant 0 : index
      %swap3A_195 = tpu.vector_load %arg7[%swap3A_194] {strides = array<i32>} : memref<272xi32, #tpu.memory_space<vmem>>, vector<16xi32>,
      tpu.vector_store %arg7[%swap3A_194], %sub3A_193 {strides = array<i32>} : memref<272xi32, #tpu.memory_space<vmem>>, vector<16xi32>,
      %gather3A_196 = tpu.vector_load_idx %arg7[%all_reduce_ffs3A_192] : memref<272xi32, #tpu.memory_space<vmem>>[vector<16xi32>], vector<16xi32>,
      %sub3A_197 = arith.constant 15 : i32
      %sub3A_198 = vector.broadcast %sub3A_197 : i32 to vector<16xi32>
      %sub3A_199 = arith.subi %sub3A_198, %all_reduce_ffs3A_192 : vector<16xi32>
      %sub3A_200 = arith.subi %sub3A_163, %gather3A_196 : vector<16xi32>
      %mul3A_201 = arith.constant 16 : i32
      %mul3A_202 = vector.broadcast %mul3A_201 : i32 to vector<16xi32>
      %mul3A_203 = arith.muli %sub3A_162, %mul3A_202 : vector<16xi32>
      %add3A_204 = arith.addi %mul3A_203, %sub3A_199 : vector<16xi32>
      %shift_left3A_205 = arith.constant 16 : i32
      %shift_left3A_206 = vector.broadcast %shift_left3A_205 : i32 to vector<16xi32>
      %shift_left3A_207 = arith.shli %add3A_204, %shift_left3A_206 : vector<16xi32>
      %or3A = arith.ori %shift_left3A_128, %shift_left3A_207 : vector<16xi32>
      %parallel_loop3A_208 = arith.constant 0 : i32
      %parallel_loop3A_209 = arith.constant 257 : i32
      %parallel_loop3A_210 = arith.constant 1 : i32
      scf.for %parallel_loop3A_301 = %parallel_loop3A_208 to %parallel_loop3A_209 step %parallel_loop3A_210  : i32 {
        %parallel_loop3A_302 = arith.constant 0 : i32
        %parallel_loop3A_303 = vector.broadcast %parallel_loop3A_302 : i32 to vector<16xi32>
        %parallel_loop3A_304 = arith.constant 16 : i32
        %parallel_loop3A_305 = arith.muli %parallel_loop3A_301, %parallel_loop3A_304 : i32
        %parallel_loop3A_306 = arith.index_cast %parallel_loop3A_305 : i32 to index
        %parallel_loop3A_307 = tpu.vector_load %arg6[%parallel_loop3A_306] {strides = array<i32>} : memref<4112xi32, #tpu.memory_space<vmem>>, vector<16xi32>,
        tpu.vector_store %arg6[%parallel_loop3A_306], %parallel_loop3A_303 {strides = array<i32>} : memref<4112xi32, #tpu.memory_space<vmem>>, vector<16xi32>,
      } {sc.loop_unroll_factor = 4 : i64, sc.parallel_access}
      %parallel_loop3A_211 = arith.constant 0 : i32
      %parallel_loop3A_212 = arith.constant 2048 : i32
      %parallel_loop3A_213 = arith.constant 1 : i32
      scf.for %parallel_loop3A_301 = %parallel_loop3A_211 to %parallel_loop3A_212 step %parallel_loop3A_213  : i32 {
        %parallel_loop3A_302 = arith.constant 0 : i32
        %parallel_loop3A_303 = arith.addi %parallel_loop3A_301, %parallel_loop3A_302 : i32
        %parallel_loop3A_304 = arith.constant 16 : i32
        %parallel_loop3A_305 = arith.muli %parallel_loop3A_303, %parallel_loop3A_304 : i32
        %parallel_loop3A_306 = arith.index_cast %parallel_loop3A_305 : i32 to index
        %parallel_loop3A_307 = tpu.vector_load %arg5[%parallel_loop3A_306] {strides = array<i32>} : memref<32768xi32, #tpu.memory_space<vmem>>, vector<16xi32>,
        %parallel_loop3A_308 = arith.subi %parallel_loop3A_307, %or3A : vector<16xi32>
        %parallel_loop3A_309 = arith.constant 4 : i32
        %parallel_loop3A_310 = vector.broadcast %parallel_loop3A_309 : i32 to vector<16xi32>
        %parallel_loop3A_311 = arith.shrui %parallel_loop3A_308, %parallel_loop3A_310 : vector<16xi32>
        %parallel_loop3A_312 = arith.constant 4096 : i32
        %parallel_loop3A_313 = vector.broadcast %parallel_loop3A_312 : i32 to vector<16xi32>
        %parallel_loop3A_314 = arith.minui %parallel_loop3A_311, %parallel_loop3A_313 : vector<16xi32>
        %parallel_loop3A_315 = arith.constant 8176 : i32
        %parallel_loop3A_316 = vector.broadcast %parallel_loop3A_315 : i32 to vector<16xi32>
        %parallel_loop3A_317 = arith.andi %parallel_loop3A_314, %parallel_loop3A_316 : vector<16xi32>
        %parallel_loop3A_318 = arith.addi %parallel_loop3A_317, %add3A_4 : vector<16xi32>
        tpu.vector_store_idx %arg6[%parallel_loop3A_318], %broadcast_in_dim3A_1 {add = true} : memref<4112xi32, #tpu.memory_space<vmem>>[vector<16xi32>], vector<16xi32>,
      } {sc.loop_unroll_factor = 8 : i64, sc.parallel_access}
      %scan3A_214 = arith.constant 0 : i32
      %scan3A_215 = arith.constant 0 : i32
      %scan3A_216 = arith.constant 16 : i32
      %scan3A_217 = arith.addi %scan3A_215, %scan3A_216 : i32
      %scan3A_218 = arith.constant 2 : i32
      %scan3A_219 = scf.for %scan3A_301 = %scan3A_215 to %scan3A_217 step %scan3A_218 iter_args(%scan3A_302 = %scan3A_214) -> (i32)  : i32 {
        %broadcast_in_dim3A_303 = arith.constant 0 : i32
        %broadcast_in_dim3A_304 = vector.broadcast %broadcast_in_dim3A_303 : i32 to vector<16xi32>
        %mul3A_305 = arith.constant 256 : i32
        %mul3A_306 = arith.muli %scan3A_301, %mul3A_305 : i32
        %add3A_307 = arith.constant 0 : i32
        %add3A_308 = arith.addi %mul3A_306, %add3A_307 : i32
        %add3A_309 = arith.constant 0 : i32
        %add3A_310 = arith.addi %add3A_309, %add3A_308 : i32
        %get3A = arith.index_cast %add3A_310 : i32 to index
        %get3A_311 = tpu.vector_load %arg6[%get3A] {strides = array<i32>} : memref<4112xi32, #tpu.memory_space<vmem>>, vector<16xi32>,
        %add3A_312 = arith.addi %broadcast_in_dim3A_304, %get3A_311 : vector<16xi32>
        %mul3A_313 = arith.constant 256 : i32
        %mul3A_314 = arith.muli %scan3A_301, %mul3A_313 : i32
        %add3A_315 = arith.constant 16 : i32
        %add3A_316 = arith.addi %mul3A_314, %add3A_315 : i32
        %add3A_317 = arith.constant 0 : i32
        %add3A_318 = arith.addi %add3A_317, %add3A_316 : i32
        %get3A_319 = arith.index_cast %add3A_318 : i32 to index
        %get3A_320 = tpu.vector_load %arg6[%get3A_319] {strides = array<i32>} : memref<4112xi32, #tpu.memory_space<vmem>>, vector<16xi32>,
        %add3A_321 = arith.addi %add3A_312, %get3A_320 : vector<16xi32>
        %mul3A_322 = arith.constant 256 : i32
        %mul3A_323 = arith.muli %scan3A_301, %mul3A_322 : i32
        %add3A_324 = arith.constant 32 : i32
        %add3A_325 = arith.addi %mul3A_323, %add3A_324 : i32
        %add3A_326 = arith.constant 0 : i32
        %add3A_327 = arith.addi %add3A_326, %add3A_325 : i32
        %get3A_328 = arith.index_cast %add3A_327 : i32 to index
        %get3A_329 = tpu.vector_load %arg6[%get3A_328] {strides = array<i32>} : memref<4112xi32, #tpu.memory_space<vmem>>, vector<16xi32>,
        %add3A_330 = arith.addi %add3A_321, %get3A_329 : vector<16xi32>
        %mul3A_331 = arith.constant 256 : i32
        %mul3A_332 = arith.muli %scan3A_301, %mul3A_331 : i32
        %add3A_333 = arith.constant 48 : i32
        %add3A_334 = arith.addi %mul3A_332, %add3A_333 : i32
        %add3A_335 = arith.constant 0 : i32
        %add3A_336 = arith.addi %add3A_335, %add3A_334 : i32
        %get3A_337 = arith.index_cast %add3A_336 : i32 to index
        %get3A_338 = tpu.vector_load %arg6[%get3A_337] {strides = array<i32>} : memref<4112xi32, #tpu.memory_space<vmem>>, vector<16xi32>,
        %add3A_339 = arith.addi %add3A_330, %get3A_338 : vector<16xi32>
        %mul3A_340 = arith.constant 256 : i32
        %mul3A_341 = arith.muli %scan3A_301, %mul3A_340 : i32
        %add3A_342 = arith.constant 64 : i32
        %add3A_343 = arith.addi %mul3A_341, %add3A_342 : i32
        %add3A_344 = arith.constant 0 : i32
        %add3A_345 = arith.addi %add3A_344, %add3A_343 : i32
        %get3A_346 = arith.index_cast %add3A_345 : i32 to index
        %get3A_347 = tpu.vector_load %arg6[%get3A_346] {strides = array<i32>} : memref<4112xi32, #tpu.memory_space<vmem>>, vector<16xi32>,
        %add3A_348 = arith.addi %add3A_339, %get3A_347 : vector<16xi32>
        %mul3A_349 = arith.constant 256 : i32
        %mul3A_350 = arith.muli %scan3A_301, %mul3A_349 : i32
        %add3A_351 = arith.constant 80 : i32
        %add3A_352 = arith.addi %mul3A_350, %add3A_351 : i32
        %add3A_353 = arith.constant 0 : i32
        %add3A_354 = arith.addi %add3A_353, %add3A_352 : i32
        %get3A_355 = arith.index_cast %add3A_354 : i32 to index
        %get3A_356 = tpu.vector_load %arg6[%get3A_355] {strides = array<i32>} : memref<4112xi32, #tpu.memory_space<vmem>>, vector<16xi32>,
        %add3A_357 = arith.addi %add3A_348, %get3A_356 : vector<16xi32>
        %mul3A_358 = arith.constant 256 : i32
        %mul3A_359 = arith.muli %scan3A_301, %mul3A_358 : i32
        %add3A_360 = arith.constant 96 : i32
        %add3A_361 = arith.addi %mul3A_359, %add3A_360 : i32
        %add3A_362 = arith.constant 0 : i32
        %add3A_363 = arith.addi %add3A_362, %add3A_361 : i32
        %get3A_364 = arith.index_cast %add3A_363 : i32 to index
        %get3A_365 = tpu.vector_load %arg6[%get3A_364] {strides = array<i32>} : memref<4112xi32, #tpu.memory_space<vmem>>, vector<16xi32>,
        %add3A_366 = arith.addi %add3A_357, %get3A_365 : vector<16xi32>
        %mul3A_367 = arith.constant 256 : i32
        %mul3A_368 = arith.muli %scan3A_301, %mul3A_367 : i32
        %add3A_369 = arith.constant 112 : i32
        %add3A_370 = arith.addi %mul3A_368, %add3A_369 : i32
        %add3A_371 = arith.constant 0 : i32
        %add3A_372 = arith.addi %add3A_371, %add3A_370 : i32
        %get3A_373 = arith.index_cast %add3A_372 : i32 to index
        %get3A_374 = tpu.vector_load %arg6[%get3A_373] {strides = array<i32>} : memref<4112xi32, #tpu.memory_space<vmem>>, vector<16xi32>,
        %add3A_375 = arith.addi %add3A_366, %get3A_374 : vector<16xi32>
        %mul3A_376 = arith.constant 256 : i32
        %mul3A_377 = arith.muli %scan3A_301, %mul3A_376 : i32
        %add3A_378 = arith.constant 128 : i32
        %add3A_379 = arith.addi %mul3A_377, %add3A_378 : i32
        %add3A_380 = arith.constant 0 : i32
        %add3A_381 = arith.addi %add3A_380, %add3A_379 : i32
        %get3A_382 = arith.index_cast %add3A_381 : i32 to index
        %get3A_383 = tpu.vector_load %arg6[%get3A_382] {strides = array<i32>} : memref<4112xi32, #tpu.memory_space<vmem>>, vector<16xi32>,
        %add3A_384 = arith.addi %add3A_375, %get3A_383 : vector<16xi32>
        %mul3A_385 = arith.constant 256 : i32
        %mul3A_386 = arith.muli %scan3A_301, %mul3A_385 : i32
        %add3A_387 = arith.constant 144 : i32
        %add3A_388 = arith.addi %mul3A_386, %add3A_387 : i32
        %add3A_389 = arith.constant 0 : i32
        %add3A_390 = arith.addi %add3A_389, %add3A_388 : i32
        %get3A_391 = arith.index_cast %add3A_390 : i32 to index
        %get3A_392 = tpu.vector_load %arg6[%get3A_391] {strides = array<i32>} : memref<4112xi32, #tpu.memory_space<vmem>>, vector<16xi32>,
        %add3A_393 = arith.addi %add3A_384, %get3A_392 : vector<16xi32>
        %mul3A_394 = arith.constant 256 : i32
        %mul3A_395 = arith.muli %scan3A_301, %mul3A_394 : i32
        %add3A_396 = arith.constant 160 : i32
        %add3A_397 = arith.addi %mul3A_395, %add3A_396 : i32
        %add3A_398 = arith.constant 0 : i32
        %add3A_399 = arith.addi %add3A_398, %add3A_397 : i32
        %get3A_400 = arith.index_cast %add3A_399 : i32 to index
        %get3A_401 = tpu.vector_load %arg6[%get3A_400] {strides = array<i32>} : memref<4112xi32, #tpu.memory_space<vmem>>, vector<16xi32>,
        %add3A_402 = arith.addi %add3A_393, %get3A_401 : vector<16xi32>
        %mul3A_403 = arith.constant 256 : i32
        %mul3A_404 = arith.muli %scan3A_301, %mul3A_403 : i32
        %add3A_405 = arith.constant 176 : i32
        %add3A_406 = arith.addi %mul3A_404, %add3A_405 : i32
        %add3A_407 = arith.constant 0 : i32
        %add3A_408 = arith.addi %add3A_407, %add3A_406 : i32
        %get3A_409 = arith.index_cast %add3A_408 : i32 to index
        %get3A_410 = tpu.vector_load %arg6[%get3A_409] {strides = array<i32>} : memref<4112xi32, #tpu.memory_space<vmem>>, vector<16xi32>,
        %add3A_411 = arith.addi %add3A_402, %get3A_410 : vector<16xi32>
        %mul3A_412 = arith.constant 256 : i32
        %mul3A_413 = arith.muli %scan3A_301, %mul3A_412 : i32
        %add3A_414 = arith.constant 192 : i32
        %add3A_415 = arith.addi %mul3A_413, %add3A_414 : i32
        %add3A_416 = arith.constant 0 : i32
        %add3A_417 = arith.addi %add3A_416, %add3A_415 : i32
        %get3A_418 = arith.index_cast %add3A_417 : i32 to index
        %get3A_419 = tpu.vector_load %arg6[%get3A_418] {strides = array<i32>} : memref<4112xi32, #tpu.memory_space<vmem>>, vector<16xi32>,
        %add3A_420 = arith.addi %add3A_411, %get3A_419 : vector<16xi32>
        %mul3A_421 = arith.constant 256 : i32
        %mul3A_422 = arith.muli %scan3A_301, %mul3A_421 : i32
        %add3A_423 = arith.constant 208 : i32
        %add3A_424 = arith.addi %mul3A_422, %add3A_423 : i32
        %add3A_425 = arith.constant 0 : i32
        %add3A_426 = arith.addi %add3A_425, %add3A_424 : i32
        %get3A_427 = arith.index_cast %add3A_426 : i32 to index
        %get3A_428 = tpu.vector_load %arg6[%get3A_427] {strides = array<i32>} : memref<4112xi32, #tpu.memory_space<vmem>>, vector<16xi32>,
        %add3A_429 = arith.addi %add3A_420, %get3A_428 : vector<16xi32>
        %mul3A_430 = arith.constant 256 : i32
        %mul3A_431 = arith.muli %scan3A_301, %mul3A_430 : i32
        %add3A_432 = arith.constant 224 : i32
        %add3A_433 = arith.addi %mul3A_431, %add3A_432 : i32
        %add3A_434 = arith.constant 0 : i32
        %add3A_435 = arith.addi %add3A_434, %add3A_433 : i32
        %get3A_436 = arith.index_cast %add3A_435 : i32 to index
        %get3A_437 = tpu.vector_load %arg6[%get3A_436] {strides = array<i32>} : memref<4112xi32, #tpu.memory_space<vmem>>, vector<16xi32>,
        %add3A_438 = arith.addi %add3A_429, %get3A_437 : vector<16xi32>
        %mul3A_439 = arith.constant 256 : i32
        %mul3A_440 = arith.muli %scan3A_301, %mul3A_439 : i32
        %add3A_441 = arith.constant 240 : i32
        %add3A_442 = arith.addi %mul3A_440, %add3A_441 : i32
        %add3A_443 = arith.constant 0 : i32
        %add3A_444 = arith.addi %add3A_443, %add3A_442 : i32
        %get3A_445 = arith.index_cast %add3A_444 : i32 to index
        %get3A_446 = tpu.vector_load %arg6[%get3A_445] {strides = array<i32>} : memref<4112xi32, #tpu.memory_space<vmem>>, vector<16xi32>,
        %add3A_447 = arith.addi %add3A_438, %get3A_446 : vector<16xi32>
        %broadcast_in_dim3A_448 = arith.constant true
        %broadcast_in_dim3A_449 = vector.broadcast %broadcast_in_dim3A_448 : i1 to vector<16xi1>
        %masked_cumsum3A_450 = tpu.scan <sum>, %add3A_447 masked %broadcast_in_dim3A_449 : vector<16xi32>, vector<16xi1> -> vector<16xi32>
        %mul3A_451 = arith.constant 16 : i32
        %mul3A_452 = arith.muli %scan3A_301, %mul3A_451 : i32
        %add3A_453 = arith.constant 16 : i32
        %add3A_454 = arith.addi %add3A_453, %mul3A_452 : i32
        %swap3A_455 = arith.index_cast %add3A_454 : i32 to index
        %swap3A_456 = tpu.vector_load %arg7[%swap3A_455] {strides = array<i32>} : memref<272xi32, #tpu.memory_space<vmem>>, vector<16xi32>,
        tpu.vector_store %arg7[%swap3A_455], %masked_cumsum3A_450 {strides = array<i32>} : memref<272xi32, #tpu.memory_space<vmem>>, vector<16xi32>,
        %scan3A_457 = arith.constant 0 : i32
        %scan3A_458 = arith.constant 1 : i32
        %scan3A_459 = arith.addi %scan3A_301, %scan3A_458 : i32
        %broadcast_in_dim3A_460 = arith.constant 0 : i32
        %broadcast_in_dim3A_461 = vector.broadcast %broadcast_in_dim3A_460 : i32 to vector<16xi32>
        %mul3A_462 = arith.constant 256 : i32
        %mul3A_463 = arith.muli %scan3A_459, %mul3A_462 : i32
        %add3A_464 = arith.constant 0 : i32
        %add3A_465 = arith.addi %mul3A_463, %add3A_464 : i32
        %add3A_466 = arith.constant 0 : i32
        %add3A_467 = arith.addi %add3A_466, %add3A_465 : i32
        %get3A_468 = arith.index_cast %add3A_467 : i32 to index
        %get3A_469 = tpu.vector_load %arg6[%get3A_468] {strides = array<i32>} : memref<4112xi32, #tpu.memory_space<vmem>>, vector<16xi32>,
        %add3A_470 = arith.addi %broadcast_in_dim3A_461, %get3A_469 : vector<16xi32>
        %mul3A_471 = arith.constant 256 : i32
        %mul3A_472 = arith.muli %scan3A_459, %mul3A_471 : i32
        %add3A_473 = arith.constant 16 : i32
        %add3A_474 = arith.addi %mul3A_472, %add3A_473 : i32
        %add3A_475 = arith.constant 0 : i32
        %add3A_476 = arith.addi %add3A_475, %add3A_474 : i32
        %get3A_477 = arith.index_cast %add3A_476 : i32 to index
        %get3A_478 = tpu.vector_load %arg6[%get3A_477] {strides = array<i32>} : memref<4112xi32, #tpu.memory_space<vmem>>, vector<16xi32>,
        %add3A_479 = arith.addi %add3A_470, %get3A_478 : vector<16xi32>
        %mul3A_480 = arith.constant 256 : i32
        %mul3A_481 = arith.muli %scan3A_459, %mul3A_480 : i32
        %add3A_482 = arith.constant 32 : i32
        %add3A_483 = arith.addi %mul3A_481, %add3A_482 : i32
        %add3A_484 = arith.constant 0 : i32
        %add3A_485 = arith.addi %add3A_484, %add3A_483 : i32
        %get3A_486 = arith.index_cast %add3A_485 : i32 to index
        %get3A_487 = tpu.vector_load %arg6[%get3A_486] {strides = array<i32>} : memref<4112xi32, #tpu.memory_space<vmem>>, vector<16xi32>,
        %add3A_488 = arith.addi %add3A_479, %get3A_487 : vector<16xi32>
        %mul3A_489 = arith.constant 256 : i32
        %mul3A_490 = arith.muli %scan3A_459, %mul3A_489 : i32
        %add3A_491 = arith.constant 48 : i32
        %add3A_492 = arith.addi %mul3A_490, %add3A_491 : i32
        %add3A_493 = arith.constant 0 : i32
        %add3A_494 = arith.addi %add3A_493, %add3A_492 : i32
        %get3A_495 = arith.index_cast %add3A_494 : i32 to index
        %get3A_496 = tpu.vector_load %arg6[%get3A_495] {strides = array<i32>} : memref<4112xi32, #tpu.memory_space<vmem>>, vector<16xi32>,
        %add3A_497 = arith.addi %add3A_488, %get3A_496 : vector<16xi32>
        %mul3A_498 = arith.constant 256 : i32
        %mul3A_499 = arith.muli %scan3A_459, %mul3A_498 : i32
        %add3A_500 = arith.constant 64 : i32
        %add3A_501 = arith.addi %mul3A_499, %add3A_500 : i32
        %add3A_502 = arith.constant 0 : i32
        %add3A_503 = arith.addi %add3A_502, %add3A_501 : i32
        %get3A_504 = arith.index_cast %add3A_503 : i32 to index
        %get3A_505 = tpu.vector_load %arg6[%get3A_504] {strides = array<i32>} : memref<4112xi32, #tpu.memory_space<vmem>>, vector<16xi32>,
        %add3A_506 = arith.addi %add3A_497, %get3A_505 : vector<16xi32>
        %mul3A_507 = arith.constant 256 : i32
        %mul3A_508 = arith.muli %scan3A_459, %mul3A_507 : i32
        %add3A_509 = arith.constant 80 : i32
        %add3A_510 = arith.addi %mul3A_508, %add3A_509 : i32
        %add3A_511 = arith.constant 0 : i32
        %add3A_512 = arith.addi %add3A_511, %add3A_510 : i32
        %get3A_513 = arith.index_cast %add3A_512 : i32 to index
        %get3A_514 = tpu.vector_load %arg6[%get3A_513] {strides = array<i32>} : memref<4112xi32, #tpu.memory_space<vmem>>, vector<16xi32>,
        %add3A_515 = arith.addi %add3A_506, %get3A_514 : vector<16xi32>
        %mul3A_516 = arith.constant 256 : i32
        %mul3A_517 = arith.muli %scan3A_459, %mul3A_516 : i32
        %add3A_518 = arith.constant 96 : i32
        %add3A_519 = arith.addi %mul3A_517, %add3A_518 : i32
        %add3A_520 = arith.constant 0 : i32
        %add3A_521 = arith.addi %add3A_520, %add3A_519 : i32
        %get3A_522 = arith.index_cast %add3A_521 : i32 to index
        %get3A_523 = tpu.vector_load %arg6[%get3A_522] {strides = array<i32>} : memref<4112xi32, #tpu.memory_space<vmem>>, vector<16xi32>,
        %add3A_524 = arith.addi %add3A_515, %get3A_523 : vector<16xi32>
        %mul3A_525 = arith.constant 256 : i32
        %mul3A_526 = arith.muli %scan3A_459, %mul3A_525 : i32
        %add3A_527 = arith.constant 112 : i32
        %add3A_528 = arith.addi %mul3A_526, %add3A_527 : i32
        %add3A_529 = arith.constant 0 : i32
        %add3A_530 = arith.addi %add3A_529, %add3A_528 : i32
        %get3A_531 = arith.index_cast %add3A_530 : i32 to index
        %get3A_532 = tpu.vector_load %arg6[%get3A_531] {strides = array<i32>} : memref<4112xi32, #tpu.memory_space<vmem>>, vector<16xi32>,
        %add3A_533 = arith.addi %add3A_524, %get3A_532 : vector<16xi32>
        %mul3A_534 = arith.constant 256 : i32
        %mul3A_535 = arith.muli %scan3A_459, %mul3A_534 : i32
        %add3A_536 = arith.constant 128 : i32
        %add3A_537 = arith.addi %mul3A_535, %add3A_536 : i32
        %add3A_538 = arith.constant 0 : i32
        %add3A_539 = arith.addi %add3A_538, %add3A_537 : i32
        %get3A_540 = arith.index_cast %add3A_539 : i32 to index
        %get3A_541 = tpu.vector_load %arg6[%get3A_540] {strides = array<i32>} : memref<4112xi32, #tpu.memory_space<vmem>>, vector<16xi32>,
        %add3A_542 = arith.addi %add3A_533, %get3A_541 : vector<16xi32>
        %mul3A_543 = arith.constant 256 : i32
        %mul3A_544 = arith.muli %scan3A_459, %mul3A_543 : i32
        %add3A_545 = arith.constant 144 : i32
        %add3A_546 = arith.addi %mul3A_544, %add3A_545 : i32
        %add3A_547 = arith.constant 0 : i32
        %add3A_548 = arith.addi %add3A_547, %add3A_546 : i32
        %get3A_549 = arith.index_cast %add3A_548 : i32 to index
        %get3A_550 = tpu.vector_load %arg6[%get3A_549] {strides = array<i32>} : memref<4112xi32, #tpu.memory_space<vmem>>, vector<16xi32>,
        %add3A_551 = arith.addi %add3A_542, %get3A_550 : vector<16xi32>
        %mul3A_552 = arith.constant 256 : i32
        %mul3A_553 = arith.muli %scan3A_459, %mul3A_552 : i32
        %add3A_554 = arith.constant 160 : i32
        %add3A_555 = arith.addi %mul3A_553, %add3A_554 : i32
        %add3A_556 = arith.constant 0 : i32
        %add3A_557 = arith.addi %add3A_556, %add3A_555 : i32
        %get3A_558 = arith.index_cast %add3A_557 : i32 to index
        %get3A_559 = tpu.vector_load %arg6[%get3A_558] {strides = array<i32>} : memref<4112xi32, #tpu.memory_space<vmem>>, vector<16xi32>,
        %add3A_560 = arith.addi %add3A_551, %get3A_559 : vector<16xi32>
        %mul3A_561 = arith.constant 256 : i32
        %mul3A_562 = arith.muli %scan3A_459, %mul3A_561 : i32
        %add3A_563 = arith.constant 176 : i32
        %add3A_564 = arith.addi %mul3A_562, %add3A_563 : i32
        %add3A_565 = arith.constant 0 : i32
        %add3A_566 = arith.addi %add3A_565, %add3A_564 : i32
        %get3A_567 = arith.index_cast %add3A_566 : i32 to index
        %get3A_568 = tpu.vector_load %arg6[%get3A_567] {strides = array<i32>} : memref<4112xi32, #tpu.memory_space<vmem>>, vector<16xi32>,
        %add3A_569 = arith.addi %add3A_560, %get3A_568 : vector<16xi32>
        %mul3A_570 = arith.constant 256 : i32
        %mul3A_571 = arith.muli %scan3A_459, %mul3A_570 : i32
        %add3A_572 = arith.constant 192 : i32
        %add3A_573 = arith.addi %mul3A_571, %add3A_572 : i32
        %add3A_574 = arith.constant 0 : i32
        %add3A_575 = arith.addi %add3A_574, %add3A_573 : i32
        %get3A_576 = arith.index_cast %add3A_575 : i32 to index
        %get3A_577 = tpu.vector_load %arg6[%get3A_576] {strides = array<i32>} : memref<4112xi32, #tpu.memory_space<vmem>>, vector<16xi32>,
        %add3A_578 = arith.addi %add3A_569, %get3A_577 : vector<16xi32>
        %mul3A_579 = arith.constant 256 : i32
        %mul3A_580 = arith.muli %scan3A_459, %mul3A_579 : i32
        %add3A_581 = arith.constant 208 : i32
        %add3A_582 = arith.addi %mul3A_580, %add3A_581 : i32
        %add3A_583 = arith.constant 0 : i32
        %add3A_584 = arith.addi %add3A_583, %add3A_582 : i32
        %get3A_585 = arith.index_cast %add3A_584 : i32 to index
        %get3A_586 = tpu.vector_load %arg6[%get3A_585] {strides = array<i32>} : memref<4112xi32, #tpu.memory_space<vmem>>, vector<16xi32>,
        %add3A_587 = arith.addi %add3A_578, %get3A_586 : vector<16xi32>
        %mul3A_588 = arith.constant 256 : i32
        %mul3A_589 = arith.muli %scan3A_459, %mul3A_588 : i32
        %add3A_590 = arith.constant 224 : i32
        %add3A_591 = arith.addi %mul3A_589, %add3A_590 : i32
        %add3A_592 = arith.constant 0 : i32
        %add3A_593 = arith.addi %add3A_592, %add3A_591 : i32
        %get3A_594 = arith.index_cast %add3A_593 : i32 to index
        %get3A_595 = tpu.vector_load %arg6[%get3A_594] {strides = array<i32>} : memref<4112xi32, #tpu.memory_space<vmem>>, vector<16xi32>,
        %add3A_596 = arith.addi %add3A_587, %get3A_595 : vector<16xi32>
        %mul3A_597 = arith.constant 256 : i32
        %mul3A_598 = arith.muli %scan3A_459, %mul3A_597 : i32
        %add3A_599 = arith.constant 240 : i32
        %add3A_600 = arith.addi %mul3A_598, %add3A_599 : i32
        %add3A_601 = arith.constant 0 : i32
        %add3A_602 = arith.addi %add3A_601, %add3A_600 : i32
        %get3A_603 = arith.index_cast %add3A_602 : i32 to index
        %get3A_604 = tpu.vector_load %arg6[%get3A_603] {strides = array<i32>} : memref<4112xi32, #tpu.memory_space<vmem>>, vector<16xi32>,
        %add3A_605 = arith.addi %add3A_596, %get3A_604 : vector<16xi32>
        %broadcast_in_dim3A_606 = arith.constant true
        %broadcast_in_dim3A_607 = vector.broadcast %broadcast_in_dim3A_606 : i1 to vector<16xi1>
        %masked_cumsum3A_608 = tpu.scan <sum>, %add3A_605 masked %broadcast_in_dim3A_607 : vector<16xi32>, vector<16xi1> -> vector<16xi32>
        %mul3A_609 = arith.constant 16 : i32
        %mul3A_610 = arith.muli %scan3A_459, %mul3A_609 : i32
        %add3A_611 = arith.constant 16 : i32
        %add3A_612 = arith.addi %add3A_611, %mul3A_610 : i32
        %swap3A_613 = arith.index_cast %add3A_612 : i32 to index
        %swap3A_614 = tpu.vector_load %arg7[%swap3A_613] {strides = array<i32>} : memref<272xi32, #tpu.memory_space<vmem>>, vector<16xi32>,
        tpu.vector_store %arg7[%swap3A_613], %masked_cumsum3A_608 {strides = array<i32>} : memref<272xi32, #tpu.memory_space<vmem>>, vector<16xi32>,
        %scan3A_615 = arith.constant 0 : i32
        scf.yield %scan3A_615 : i32
      }
      %scan3A_220 = arith.constant 16 : i32
      %add3A_221 = arith.constant 16 : i32
      %add3A_222 = vector.broadcast %add3A_221 : i32 to vector<16xi32>
      %add3A_223 = arith.addi %add3A_222, %add3A_12 : vector<16xi32>
      %gather3A_224 = tpu.vector_load_idx %arg7[%add3A_223] : memref<272xi32, #tpu.memory_space<vmem>>[vector<16xi32>], vector<16xi32>,
      %rev3A_225 = arith.constant 15 : i32
      %rev3A_226 = vector.broadcast %rev3A_225 : i32 to vector<16xi32>
      %rev3A_227 = tpu.iota {dimensions = array<i32: 0>} : vector<16xi32>
      %rev3A_228 = arith.subi %rev3A_226, %rev3A_227 : vector<16xi32>
      %rev3A_229 = tpu.dynamic_gather %gather3A_224[%rev3A_228] in [0] : vector<16xi32>, vector<16xi32> -> vector<16xi32>
      %broadcast_in_dim3A_230 = arith.constant true
      %broadcast_in_dim3A_231 = vector.broadcast %broadcast_in_dim3A_230 : i1 to vector<16xi1>
      %masked_cumsum3A_232 = tpu.scan <sum>, %rev3A_229 masked %broadcast_in_dim3A_231 : vector<16xi32>, vector<16xi1> -> vector<16xi32>
      %ge3A_233 = arith.cmpi sge, %masked_cumsum3A_232, %sub3A_200 : vector<16xi32>
      %all_reduce_ffs3A_234 = tpu.all_reduce %ge3A_233 {dim = 0 : i64, kind = #tpu.reduction_kind<find_first_set>} : vector<16xi1> -> vector<16xi32>
      %sub3A_235 = arith.subi %masked_cumsum3A_232, %rev3A_229 : vector<16xi32>
      %swap3A_236 = arith.constant 0 : index
      %swap3A_237 = tpu.vector_load %arg7[%swap3A_236] {strides = array<i32>} : memref<272xi32, #tpu.memory_space<vmem>>, vector<16xi32>,
      tpu.vector_store %arg7[%swap3A_236], %sub3A_235 {strides = array<i32>} : memref<272xi32, #tpu.memory_space<vmem>>, vector<16xi32>,
      %gather3A_238 = tpu.vector_load_idx %arg7[%all_reduce_ffs3A_234] : memref<272xi32, #tpu.memory_space<vmem>>[vector<16xi32>], vector<16xi32>,
      %sub3A_239 = arith.constant 15 : i32
      %sub3A_240 = vector.broadcast %sub3A_239 : i32 to vector<16xi32>
      %sub3A_241 = arith.subi %sub3A_240, %all_reduce_ffs3A_234 : vector<16xi32>
      %sub3A_242 = arith.subi %sub3A_200, %gather3A_238 : vector<16xi32>
      %reduce_max3A_243 = arith.constant true
      %reduce_max3A_244 = vector.broadcast %reduce_max3A_243 : i1 to vector<16xi1>
      %reduce_max3A_245 = arith.constant -2147483648 : i32
      %reduce_max3A_246 = vector.broadcast %reduce_max3A_245 : i32 to vector<16xi32>
      %reduce_max3A_247 = arith.xori %sub3A_241, %reduce_max3A_246 : vector<16xi32>
      %reduce_max3A_248 = tpu.scan <max>, %reduce_max3A_247 masked %reduce_max3A_244 : vector<16xi32>, vector<16xi1> -> vector<16xi32>
      %reduce_max3A_249 = arith.xori %reduce_max3A_248, %reduce_max3A_246 : vector<16xi32>
      %reduce_max3A_250 = vector.extract %reduce_max3A_249[15] : i32 from vector<16xi32>
      %scan3A_251 = arith.constant 0 : i32
      %scan3A_252 = arith.constant 0 : i32
      %scan3A_253 = arith.constant 16 : i32
      %scan3A_254 = arith.addi %scan3A_252, %scan3A_253 : i32
      %scan3A_255 = arith.constant 2 : i32
      %scan3A_256 = scf.for %scan3A_301 = %scan3A_252 to %scan3A_254 step %scan3A_255 iter_args(%scan3A_302 = %scan3A_251) -> (i32)  : i32 {
        %mul3A_303 = arith.constant 256 : i32
        %mul3A_304 = arith.muli %reduce_max3A_250, %mul3A_303 : i32
        %mul3A_305 = arith.constant 16 : i32
        %mul3A_306 = arith.muli %scan3A_301, %mul3A_305 : i32
        %add3A_307 = arith.addi %mul3A_304, %mul3A_306 : i32
        %get3A = arith.index_cast %add3A_307 : i32 to index
        %get3A_308 = tpu.vector_load %arg6[%get3A] {strides = array<i32>} : memref<4112xi32, #tpu.memory_space<vmem>>, vector<16xi32>,
        %broadcast_in_dim3A_309 = arith.constant true
        %broadcast_in_dim3A_310 = vector.broadcast %broadcast_in_dim3A_309 : i1 to vector<16xi1>
        %masked_cumsum3A_311 = tpu.scan <sum>, %get3A_308 masked %broadcast_in_dim3A_310 : vector<16xi32>, vector<16xi1> -> vector<16xi32>
        %mul3A_312 = arith.constant 16 : i32
        %mul3A_313 = arith.muli %scan3A_301, %mul3A_312 : i32
        %add3A_314 = arith.constant 16 : i32
        %add3A_315 = arith.addi %add3A_314, %mul3A_313 : i32
        %swap3A_316 = arith.index_cast %add3A_315 : i32 to index
        %swap3A_317 = tpu.vector_load %arg7[%swap3A_316] {strides = array<i32>} : memref<272xi32, #tpu.memory_space<vmem>>, vector<16xi32>,
        tpu.vector_store %arg7[%swap3A_316], %masked_cumsum3A_311 {strides = array<i32>} : memref<272xi32, #tpu.memory_space<vmem>>, vector<16xi32>,
        %scan3A_318 = arith.constant 0 : i32
        %scan3A_319 = arith.constant 1 : i32
        %scan3A_320 = arith.addi %scan3A_301, %scan3A_319 : i32
        %mul3A_321 = arith.constant 256 : i32
        %mul3A_322 = arith.muli %reduce_max3A_250, %mul3A_321 : i32
        %mul3A_323 = arith.constant 16 : i32
        %mul3A_324 = arith.muli %scan3A_320, %mul3A_323 : i32
        %add3A_325 = arith.addi %mul3A_322, %mul3A_324 : i32
        %get3A_326 = arith.index_cast %add3A_325 : i32 to index
        %get3A_327 = tpu.vector_load %arg6[%get3A_326] {strides = array<i32>} : memref<4112xi32, #tpu.memory_space<vmem>>, vector<16xi32>,
        %broadcast_in_dim3A_328 = arith.constant true
        %broadcast_in_dim3A_329 = vector.broadcast %broadcast_in_dim3A_328 : i1 to vector<16xi1>
        %masked_cumsum3A_330 = tpu.scan <sum>, %get3A_327 masked %broadcast_in_dim3A_329 : vector<16xi32>, vector<16xi1> -> vector<16xi32>
        %mul3A_331 = arith.constant 16 : i32
        %mul3A_332 = arith.muli %scan3A_320, %mul3A_331 : i32
        %add3A_333 = arith.constant 16 : i32
        %add3A_334 = arith.addi %add3A_333, %mul3A_332 : i32
        %swap3A_335 = arith.index_cast %add3A_334 : i32 to index
        %swap3A_336 = tpu.vector_load %arg7[%swap3A_335] {strides = array<i32>} : memref<272xi32, #tpu.memory_space<vmem>>, vector<16xi32>,
        tpu.vector_store %arg7[%swap3A_335], %masked_cumsum3A_330 {strides = array<i32>} : memref<272xi32, #tpu.memory_space<vmem>>, vector<16xi32>,
        %scan3A_337 = arith.constant 0 : i32
        scf.yield %scan3A_337 : i32
      }
      %scan3A_257 = arith.constant 16 : i32
      %add3A_258 = arith.constant 16 : i32
      %add3A_259 = vector.broadcast %add3A_258 : i32 to vector<16xi32>
      %add3A_260 = arith.addi %add3A_259, %add3A_12 : vector<16xi32>
      %gather3A_261 = tpu.vector_load_idx %arg7[%add3A_260] : memref<272xi32, #tpu.memory_space<vmem>>[vector<16xi32>], vector<16xi32>,
      %rev3A_262 = arith.constant 15 : i32
      %rev3A_263 = vector.broadcast %rev3A_262 : i32 to vector<16xi32>
      %rev3A_264 = tpu.iota {dimensions = array<i32: 0>} : vector<16xi32>
      %rev3A_265 = arith.subi %rev3A_263, %rev3A_264 : vector<16xi32>
      %rev3A_266 = tpu.dynamic_gather %gather3A_261[%rev3A_265] in [0] : vector<16xi32>, vector<16xi32> -> vector<16xi32>
      %broadcast_in_dim3A_267 = arith.constant true
      %broadcast_in_dim3A_268 = vector.broadcast %broadcast_in_dim3A_267 : i1 to vector<16xi1>
      %masked_cumsum3A_269 = tpu.scan <sum>, %rev3A_266 masked %broadcast_in_dim3A_268 : vector<16xi32>, vector<16xi1> -> vector<16xi32>
      %ge3A_270 = arith.cmpi sge, %masked_cumsum3A_269, %sub3A_242 : vector<16xi32>
      %all_reduce_ffs3A_271 = tpu.all_reduce %ge3A_270 {dim = 0 : i64, kind = #tpu.reduction_kind<find_first_set>} : vector<16xi1> -> vector<16xi32>
      %sub3A_272 = arith.subi %masked_cumsum3A_269, %rev3A_266 : vector<16xi32>
      %swap3A_273 = arith.constant 0 : index
      %swap3A_274 = tpu.vector_load %arg7[%swap3A_273] {strides = array<i32>} : memref<272xi32, #tpu.memory_space<vmem>>, vector<16xi32>,
      tpu.vector_store %arg7[%swap3A_273], %sub3A_272 {strides = array<i32>} : memref<272xi32, #tpu.memory_space<vmem>>, vector<16xi32>,
      %gather3A_275 = tpu.vector_load_idx %arg7[%all_reduce_ffs3A_271] : memref<272xi32, #tpu.memory_space<vmem>>[vector<16xi32>], vector<16xi32>,
      %sub3A_276 = arith.constant 15 : i32
      %sub3A_277 = vector.broadcast %sub3A_276 : i32 to vector<16xi32>
      %sub3A_278 = arith.subi %sub3A_277, %all_reduce_ffs3A_271 : vector<16xi32>
      %sub3A_279 = arith.subi %sub3A_242, %gather3A_275 : vector<16xi32>
      %mul3A_280 = arith.constant 16 : i32
      %mul3A_281 = vector.broadcast %mul3A_280 : i32 to vector<16xi32>
      %mul3A_282 = arith.muli %sub3A_241, %mul3A_281 : vector<16xi32>
      %add3A_283 = arith.addi %mul3A_282, %sub3A_278 : vector<16xi32>
      %shift_left3A_284 = arith.constant 8 : i32
      %shift_left3A_285 = vector.broadcast %shift_left3A_284 : i32 to vector<16xi32>
      %shift_left3A_286 = arith.shli %add3A_283, %shift_left3A_285 : vector<16xi32>
      %or3A_287 = arith.ori %or3A, %shift_left3A_286 : vector<16xi32>
      %parallel_loop3A_288 = arith.constant 0 : i32
      %parallel_loop3A_289 = arith.constant 2048 : i32
      %parallel_loop3A_290 = arith.constant 1 : i32
      scf.for %parallel_loop3A_301 = %parallel_loop3A_288 to %parallel_loop3A_289 step %parallel_loop3A_290  : i32 {
        %parallel_loop3A_302 = arith.constant 16 : i32
        %parallel_loop3A_303 = arith.muli %parallel_loop3A_301, %parallel_loop3A_302 : i32
        %parallel_loop3A_304 = arith.index_cast %parallel_loop3A_303 : i32 to index
        %parallel_loop3A_305 = tpu.vector_load %arg5[%parallel_loop3A_304] {strides = array<i32>} : memref<32768xi32, #tpu.memory_space<vmem>>, vector<16xi32>,
        %parallel_loop3A_306 = tpu.bitcast %parallel_loop3A_305 : vector<16xi32> -> vector<16xi32>
        %parallel_loop3A_307 = arith.constant 31 : i32
        %parallel_loop3A_308 = vector.broadcast %parallel_loop3A_307 : i32 to vector<16xi32>
        %parallel_loop3A_309 = arith.shrsi %parallel_loop3A_306, %parallel_loop3A_308 : vector<16xi32>
        %parallel_loop3A_310 = arith.constant -1 : i32
        %parallel_loop3A_311 = vector.broadcast %parallel_loop3A_310 : i32 to vector<16xi32>
        %parallel_loop3A_312 = arith.xori %parallel_loop3A_309, %parallel_loop3A_311 : vector<16xi32>
        %parallel_loop3A_313 = arith.constant -2147483648 : i32
        %parallel_loop3A_314 = vector.broadcast %parallel_loop3A_313 : i32 to vector<16xi32>
        %parallel_loop3A_315 = arith.ori %parallel_loop3A_312, %parallel_loop3A_314 : vector<16xi32>
        %parallel_loop3A_316 = arith.xori %parallel_loop3A_306, %parallel_loop3A_315 : vector<16xi32>
        %parallel_loop3A_317 = tpu.bitcast %parallel_loop3A_316 : vector<16xi32> -> vector<16xf32>
        %parallel_loop3A_318 = arith.cmpi uge, %parallel_loop3A_305, %or3A_287 : vector<16xi32>
        %parallel_loop3A_319 = arith.constant 4.000000e+00 : f32
        %parallel_loop3A_320 = vector.broadcast %parallel_loop3A_319 : f32 to vector<16xf32>
        %parallel_loop3A_321 = arith.mulf %parallel_loop3A_317, %parallel_loop3A_320 : vector<16xf32>
        %parallel_loop3A_322 = arith.constant 0.000000e+00 : f32
        %parallel_loop3A_323 = vector.broadcast %parallel_loop3A_322 : f32 to vector<16xf32>
        %parallel_loop3A_324 = arith.select %parallel_loop3A_318, %parallel_loop3A_321, %parallel_loop3A_323 : vector<16xi1>, vector<16xf32>
        %parallel_loop3A_325 = arith.constant 16 : i32
        %parallel_loop3A_326 = arith.muli %parallel_loop3A_301, %parallel_loop3A_325 : i32
        %parallel_loop3A_327 = arith.addi %mul3A_41, %parallel_loop3A_326 : i32
        %parallel_loop3A_328 = arith.index_cast %parallel_loop3A_327 : i32 to index
        %parallel_loop3A_329 = tpu.vector_load %arg4[%parallel_loop3A_328] {strides = array<i32>} : memref<65536xf32, #tpu.memory_space<vmem>>, vector<16xf32>,
        tpu.vector_store %arg4[%parallel_loop3A_328], %parallel_loop3A_324 {strides = array<i32>} : memref<65536xf32, #tpu.memory_space<vmem>>, vector<16xf32>,
      } {sc.loop_unroll_factor = 8 : i64, sc.parallel_access}
      %add3A_291 = arith.addi %mul3A_6, %scan3A_37 : i32
      %dma_start3A_292 = tpu.memref_slice %arg4[%mul3A_41] : memref<65536xf32, #tpu.memory_space<vmem>> -> memref<32768xf32, #tpu.memory_space<vmem>>
      %dma_start3A_293 = arith.constant 0 : i32
      %dma_start3A_294 = tpu.memref_slice %arg3[%add3A_291, %dma_start3A_293] : memref<128x32768xf32, #tpu.memory_space<hbm>> -> memref<1x32768xf32, #tpu.memory_space<hbm>>
      %dma_start3A_295 = tpu.memref_squeeze %dma_start3A_294 : memref<1x32768xf32, #tpu.memory_space<hbm>> -> memref<32768xf32, #tpu.memory_space<hbm>>
      %dma_start3A_296 = arith.constant 0 : i32
      %dma_start3A_297 = tpu.memref_slice %arg3[%add3A_291, %dma_start3A_296] : memref<128x32768xf32, #tpu.memory_space<hbm>> -> memref<1x32768xf32, #tpu.memory_space<hbm>>
      %dma_start3A_298 = tpu.memref_squeeze %dma_start3A_297 : memref<1x32768xf32, #tpu.memory_space<hbm>> -> memref<32768xf32, #tpu.memory_space<hbm>>
      %dma_start3A_299 = tpu.memref_slice %arg4[%mul3A_41] : memref<65536xf32, #tpu.memory_space<vmem>> -> memref<32768xf32, #tpu.memory_space<vmem>>
      tpu.enqueue_dma source(%dma_start3A_299 : memref<32768xf32, #tpu.memory_space<vmem>>) target(%dma_start3A_298 : memref<32768xf32, #tpu.memory_space<hbm>>) target_semaphore(%arg9 : memref<!tpu.dma_semaphore, #tpu.memory_space<semaphore_mem>>)
      %scan3A_300 = arith.constant 0 : i32
      scf.yield %scan3A_300 : i32
    }
    %scan3A_27 = arith.constant 4 : i32
    %dma_wait3A = arith.constant 0 : i32
    %dma_wait3A_28 = tpu.memref_slice %arg4[%dma_wait3A] : memref<65536xf32, #tpu.memory_space<vmem>> -> memref<32768xf32, #tpu.memory_space<vmem>>
    %dma_wait3A_29 = arith.constant 0 : i32
    %dma_wait3A_30 = tpu.memref_slice %arg3[%mul3A_6, %dma_wait3A_29] : memref<128x32768xf32, #tpu.memory_space<hbm>> -> memref<1x32768xf32, #tpu.memory_space<hbm>>
    %dma_wait3A_31 = tpu.memref_squeeze %dma_wait3A_30 : memref<1x32768xf32, #tpu.memory_space<hbm>> -> memref<32768xf32, #tpu.memory_space<hbm>>
    %dma_wait3A_32 = arith.constant 0 : i32
    %dma_wait3A_33 = tpu.memref_slice %arg3[%mul3A_6, %dma_wait3A_32] : memref<128x32768xf32, #tpu.memory_space<hbm>> -> memref<1x32768xf32, #tpu.memory_space<hbm>>
    %dma_wait3A_34 = tpu.memref_squeeze %dma_wait3A_33 : memref<1x32768xf32, #tpu.memory_space<hbm>> -> memref<32768xf32, #tpu.memory_space<hbm>>
    %dma_wait3A_35 = arith.constant 0 : i32
    %dma_wait3A_36 = tpu.memref_slice %arg4[%dma_wait3A_35] : memref<65536xf32, #tpu.memory_space<vmem>> -> memref<32768xf32, #tpu.memory_space<vmem>>
    tpu.wait_dma2 semaphore(%arg9 : memref<!tpu.dma_semaphore, #tpu.memory_space<semaphore_mem>>) src(%dma_wait3A_36 : memref<32768xf32, #tpu.memory_space<vmem>>) dst(%dma_wait3A_34 : memref<32768xf32, #tpu.memory_space<hbm>>)
    return
  }
}

</mosaic_0001>

<sc_bundles>
// kernel: _maxout_sc.3.cloned.1.call-start
scs
__scs_entry_jumppad:
0x0: {  	(pc) =	sbr.rel $0x88, $3  }
0x1: {  	(tag) =	ssettag $0x0;
	lr =	simm.s32 $0x1  }
0x2: {  	[smem:$0x3FA0] =	sst lr;
	_ =	strace $0xD0000000  }
0x3: {  	_ = 	snop  }
0x4: {  	_ = 	snop  }
0x5: {  	_ = 	snop  }
0x6: {  	_ = 	snop  }
0x7: {  	_ = 	snop  }
__scs_overlays_trampoline_lowered:
0x8: {  	[smem:$0x3FAF] =	sst s0  }
0x9: {  	[smem:$0x3FB0] =	sst s1  }
0xa: {  	[smem:$0x3FB1] =	sst s2  }
0xb: {  	[smem:$0x3FB2] =	sst s3  }
0xc: {  	[smem:$0x3FB3] =	sst s4  }
0xd: {  	[smem:$0x3FB4] =	sst s5  }
0xe: {  	[smem:$0x3FB5] =	sst s6  }
0xf: {  	[smem:$0x3FB6] =	sst s7  }
0x10: {  	[smem:$0x3FB7] =	sst s8  }
0x11: {  	[smem:$0x3FB8] =	sst s9;
	s0 =	simm.s32 @!p0 $0x0  }
0x12: {  	s1 =	sld [smem:$0x3F9E];
	s0 =	simm.s32 @p0 $0x1  }
0x13: {  	[smem:$0x3FB9] =	sst s0;
	s0 =	simm.s32 @!p1 $0x0  }
0x14: {  	s2 =	sld [smem:$0x3F9D];
	s0 =	simm.s32 @p1 $0x1  }
0x15: {  	[smem:$0x3FBA] =	sst s0;
	s0 =	simm.s32 @!p2 $0x0  }
0x16: {  	s3 =	sld [smem:$0x3FDB];
	s0 =	simm.s32 @p2 $0x1  }
0x17: {  	s4 =	simm.s32 $0x1BF5;
	[smem:$0x3FBC] =	sst s0  }
0x18: {  	s0 =	sld [smem:$0x3F9F];
	_ =	swait.ge [sflag:s4], $0x0  }
0x19: {  	s7 =	sld [smem:$0x3FA0]  }
0x1a: {  	s8 =	sadd.s32 $0xFFFFE003, lr  }
0x1b: {  	s9 =	sadd.s32 $0xFFFFFEF7, lr;
	s5 =	simm.s32 $0xFFFFFFFF;
	p2 =	slt.u32 s8, $0xFFFFF086  }
0x1c: {  	p1 =	slt.u32 s9, $0xF7A;
	s5 =	simm.s32 @!p2 $0x0  }
0x1d: {  	s5 =	simm.s32 @p1 $0x1;
	p0 =	seq.s32 s7, s2  }
0x1e: {  	s7 =	smul.u32 @!p0 $0xF7A, s2;
	p2 =	seq.s32 @!p0 s5, $0x0  }
0x1f: {  	s9 =	smul.u32 $0xF7A, s1;
	s8 =	simm.s32 @!p0 $0x1BF5;
	p2 =	por !p2, p0  }
0x20: {  	[sflag:s8] =	ssyncset.s32 @!p0 $0xFFFFF086;
	s6 =	sadd.s32 @!p0 s3, s7;
	s7 =	simm.s32 @!p0 $0x108  }
0x21: {  	s3 =	sadd.s32 s3, s9;
	s6 =	sadd.s32 @!p0 $0x88, s6;
	s7 =	simm.s32 @p2 $0x1082  }
0x22: {  	[simem:s7], [sflag:s8] =	dma.local @!p0 [hbm:s6], $0xF7A  }
0x23: {  	s9 =	sor.u32 $0xD0000000, s2;
	s6 =	simm.s32 $0x108;
	_ =	swait.ge @!p0 [sflag:s8], $0x0  }
0x24: {  	s3 =	sadd.s32 $0x88, s3;
	s6 =	simm.s32 @!p1 $0x1082;
	[sflag:s4] =	ssyncset.s32 $0xFFFFF086  }
0x25: {  	[simem:s6], [sflag:s4] =	dma.local [hbm:s3], $0xF7A  }
0x26: {  	[smem:$0x3FA0] =	sst s1;
	(tag) =	ssettag s2;
	_ =	strace s9  }
0x27: {  	s1 =	sld [smem:$0x3FB0]  }
0x28: {  	s2 =	sld [smem:$0x3FB1]  }
0x29: {  	s4 =	sld [smem:$0x3FB3]  }
0x2a: {  	p0 =	seq.s32 s5, $0x0;
	s5 =	sld [smem:$0x3FB4]  }
0x2b: {  	s6 =	sld [smem:$0x3FB5]  }
0x2c: {  	s7 =	sld [smem:$0x3FB6]  }
0x2d: {  	s3 =	simm.s32 $0x108;
	s8 =	sld [smem:$0x3FB7]  }
0x2e: {  	s3 =	simm.s32 @!p0 $0x1082;
	s9 =	sld [smem:$0x3FB8]  }
0x2f: {  	lr =	sadd.s32 s0, s3;
	s0 =	sld [smem:$0x3FAF]  }
0x30: {  	s3 =	sld [smem:$0x3FB2]  }
0x31: {  	[smem:$0x3FBB] =	sst s10  }
0x32: {  	s10 =	sld [smem:$0x3FB9];
	_ =	sdelay $0x3  }
0x33: {  	p0 =	seq.s32 s10, $0x1;
	s10 =	sld [smem:$0x3FBB];
	_ =	sdelay $0x3  }
0x34: {  	[smem:$0x3FBB] =	sst s10  }
0x35: {  	s10 =	sld [smem:$0x3FBA];
	_ =	sdelay $0x3  }
0x36: {  	p1 =	seq.s32 s10, $0x1;
	s10 =	sld [smem:$0x3FBB];
	_ =	sdelay $0x3  }
0x37: {  	[smem:$0x3FBB] =	sst s10  }
0x38: {  	s10 =	sld [smem:$0x3FBC]  }
0x39: {  	_ = 	snop;
	(pc) =	sbr.ind lr, $3  }
0x3a: {  	_ = 	snop  }
0x3b: {  	_ = 	snop  }
0x3c: {  	p2 =	seq.s32 s10, $0x1;
	s10 =	sld [smem:$0x3FBB]  }
0x3d: {  	_ =	shalt  }
0x3e: {  	_ =	shalt  }
0x3f: {  	_ =	shalt  }
0x40: {  	_ =	shalt  }
0x41: {  	_ =	shalt  }
0x42: {  	_ =	shalt  }
0x43: {  	_ =	shalt  }
0x44: {  	_ =	shalt  }
0x45: {  	_ =	shalt  }
0x46: {  	_ =	shalt  }
0x47: {  	_ =	shalt  }
0x48: {  	_ =	shalt  }
0x49: {  	_ =	shalt  }
0x4a: {  	_ =	shalt  }
0x4b: {  	_ =	shalt  }
0x4c: {  	_ =	shalt  }
0x4d: {  	_ =	shalt  }
0x4e: {  	_ =	shalt  }
0x4f: {  	_ =	shalt  }
0x50: {  	_ =	shalt  }
0x51: {  	_ =	shalt  }
0x52: {  	_ =	shalt  }
0x53: {  	_ =	shalt  }
0x54: {  	_ =	shalt  }
0x55: {  	_ =	shalt  }
0x56: {  	_ =	shalt  }
0x57: {  	_ =	shalt  }
0x58: {  	_ =	shalt  }
0x59: {  	_ =	shalt  }
0x5a: {  	_ =	shalt  }
0x5b: {  	_ =	shalt  }
0x5c: {  	_ =	shalt  }
0x5d: {  	_ =	shalt  }
0x5e: {  	_ =	shalt  }
0x5f: {  	_ =	shalt  }
0x60: {  	_ =	shalt  }
0x61: {  	_ =	shalt  }
0x62: {  	_ =	shalt  }
0x63: {  	_ =	shalt  }
0x64: {  	_ =	shalt  }
0x65: {  	_ =	shalt  }
0x66: {  	_ =	shalt  }
0x67: {  	_ =	shalt  }
0x68: {  	_ =	shalt  }
0x69: {  	_ =	shalt  }
0x6a: {  	_ =	shalt  }
0x6b: {  	_ =	shalt  }
0x6c: {  	_ =	shalt  }
0x6d: {  	_ =	shalt  }
0x6e: {  	_ =	shalt  }
0x6f: {  	_ =	shalt  }
0x70: {  	_ =	shalt  }
0x71: {  	_ =	shalt  }
0x72: {  	_ =	shalt  }
0x73: {  	_ =	shalt  }
0x74: {  	_ =	shalt  }
0x75: {  	_ =	shalt  }
0x76: {  	_ =	shalt  }
0x77: {  	_ =	shalt  }
0x78: {  	_ =	shalt  }
0x79: {  	_ =	shalt  }
0x7a: {  	_ =	shalt  }
0x7b: {  	_ =	shalt  }
0x7c: {  	_ =	shalt  }
0x7d: {  	_ =	shalt  }
0x7e: {  	_ =	shalt  }
0x7f: {  	_ =	shalt  }
0x80: {  	_ =	shalt  }
0x81: {  	_ =	shalt  }
0x82: {  	_ =	shalt  }
0x83: {  	_ =	shalt  }
0x84: {  	_ =	shalt  }
0x85: {  	_ =	shalt  }
0x86: {  	_ =	shalt  }
0x87: {  	_ =	shalt  }
.Lfunc_end0:
.L_simem_size_0:
called_computation_lowered:
.L_overlay_start_0:
0x88: {  	s2 =	sld [smem:$0x3FD9]  }
0x89: {  	s3 =	sld [smem:$0x3FFE];
	_ =	sdelay $0x1  }
0x8a: {  	s1 =	srdreg.scid  }
0x8b: {  	s0 =	sand.u32 $0x1, s1  }
0x8c: {  	s18 =	sshll.u32 s0, $0xA;
	s2 =	sadd.s32 s3, s2  }
0x8d: {  	s2 =	sadd.s32 s2, s18  }
0x8e: {  	[smem:$0x3FC7] =	sst s2  }
0x8f: {  	_ = 	snop  }
0x90: {  	s2 =	sld [smem:$0x3FC9]  }
0x91: {  	s19 =	sld [smem:$0x3FD0];
	(tm) =	ssettm $0x1  }
0x92: {  	s4 =	sld [smem:$0x3FFB];
	_ =	sdelay $0x3  }
0x93: {  	_ =	strace s4  }
0x94: {  	s4 =	sld [smem:$0x3FFC];
	_ =	sdelay $0x3  }
0x95: {  	_ =	strace s4  }
0x96: {  	s4 =	sld [smem:$0x3FFD];
	_ =	sdelay $0x3  }
0x97: {  	_ =	strace s4  }
0x98: {  	_ =	strace $0x8FFFFFFF  }
0x99: {  	s20 =	sld [smem:$0x3FDB];
	_ =	sdelay $0x1  }
0x9a: {  	s5 =	simm.s32 $_scs_section_size  }
0x9b: {  	s6 =	simm.s32 $_size__tile_overlayer_lowered;
	s7 =	simm.s32 $_tile_overlayer_lowered  }
0x9c: {  	s23 =	simm.s32 $0x1BFF;
	s22 =	sshll.u32 s7, $0x1;
	s4 =	sadd.s32 s5, s20  }
0x9d: {  	s8 =	simm.s32 $0x0;
	s21 =	sshll.u32 s6, $0x1;
	s6 =	sadd.s32 s22, s4  }
0x9e: {  	[timem:s8], [sflag:s23] =	dma.local [hbm:s6], s21  }
0x9f: {  	_ =	swait.ge [sflag:s23], s21  }
0xa0: {  	s5 =	ssub.s32 $0x0, s21;
	[sflag:s23] =	ssyncset.done $0x0  }
0xa1: {  	[sflag:s23] =	ssyncadd.s32 s5;
	_ =	sdelay $0x1  }
0xa2: {  	s24 =	simm.s32 $0x1B8B  }
0xa3: {  	_ =	swait.ge [sflag:s24], $0x1  }
0xa4: {  	[sflag:s24] =	ssyncset.done $0x0  }
0xa5: {  	s25 =	simm.s32 $0x1B8E;
	[sflag:s24] =	ssyncadd.s32 $0xFFFFFFFF  }
0xa6: {  	s26 =	simm.s32 $execute0_lowered;
	[smem:$0x3FD2] =	sst s25  }
0xa7: {  	s5 =	sshll.u32 s26, $0x1;
	_ =	strace $0x80000046;
	[dreg:$0x1] =	wrdreg $0xFFFFFFFF  }
0xa8: {  	s28 =	simm.s32 $_size_execute0_lowered;
	s4 =	sadd.s32 s4, s5;
	[dreg:$0x0] =	wrdreg $0x0  }
0xa9: {  	s5 =	sshll.u32 s28, $0x1;
	[dreg:$0x2] =	wrdreg s4  }
0xaa: {  	[dreg:$0x3] =	wrdreg s5  }
0xab: {  	[dreg:$0x4] =	wrdreg $0xC0  }
0xac: {  	_ =	task [dreg:s8], $0x5FFFF  }
0xad: {  	[dreg:$0x1] =	wrdreg $0xFFFFFFFF  }
0xae: {  	[dreg:$0x0] =	wrdreg $0x60  }
0xaf: {  	[dreg:$0x2] =	wrdreg s2  }
0xb0: {  	[dreg:$0x3] =	wrdreg s19  }
0xb1: {  	[dreg:$0x4] =	wrdreg $0x9  }
0xb2: {  	_ =	task.clear_ibuf [dreg:s8], $0x5FFFF;
	_ =	strace $0x90000046  }
0xb3: {  	s29 =	simm.s32 $0x9;
	_ =	strace $0x80000048  }
0xb4: {  	_ =	swait.ge [sflag:s29], $0x1  }
0xb5: {  	[sflag:s29] =	ssyncadd.s32 $0xFFFFFFFF  }
0xb6: {  	_ =	strace $0x90000048  }
0xb7: {  	_ =	sfence  }
0xb8: {  	s30 =	sld [smem:$0x0];
	_ =	sdelay $0x2  }
0xb9: {  	s31 =	sshll.u32 s1, $0xD;
	s1 =	sshrl.u32 s1, $0x2  }
0xba: {  	s3 =	sand.u32 $0x4000, s31;
	s1 =	sadd.s32 s1, s30  }
0xbb: {  	s0 =	sor.u32 s3, s0;
	s1 =	sshll.u32 s1, $0x11  }
0xbc: {  	s0 =	sor.u32 s1, s0  }
0xbd: {  	s0 =	sadd.s32 $0x8F2B, s0  }
0xbe: {  	[sflag:s0] =	ssyncadd.remote.s32 $0x1  }
0xbf: {  	_ =	sfence.sel $0xFFFF  }
0xc0: {  	[dreg:$0x0] =	wrdreg $0xFFFFFFFF;
	(pc) =	sbr.abs _section_cstart, $3  }
0xc1: {  	[dreg:$0x1] =	wrdreg $0xFFFFFFFF  }
0xc2: {  	_ =	task.clear_ibuf [dreg:s8], $0x2FFFF;
	_ =	strace $0x9FFFFFFF  }
0xc3: {  	(tm) =	ssettm $0x7FFFFFFF  }
tec
execute0_lowered:
.L_overlay_start_1:
0x0: {  	(tag) =	ssettag $0x1  }
0x1: {  	s1 =	rddreg [dreg:$0x0]  }
0x2: {  	s7 =	rddreg [dreg:$0x1]  }
0x3: {  	s3 =	srdreg.scid;
	s0 =	rddreg [dreg:$0x2];
	s2 =	simm.s32 $0x0  }
0x4: {  	s11 =	simm.s32 $0x1;
	s12 =	simm.s32 $0x18000;
	s13 =	simm.s32 $0x19080  }
0x5: {  	s14 =	simm.s32 $0x2;
	s15 =	simm.s32 $0x0;
	s5 =	sand.u32 $0x1, s3  }
0x6: {  	[smem:$0x7FF] =	sst s2;
	s3 =	stileid.u32;
	s6 =	ssub.s32 $0x2, s5  }
0x7: {  	_ =	strace $0x80000047;
	s9 =	sshll.u32 s3, $0x3;
	s4 =	sshll.u32 s5, $0x2  }
0x8: {  	v0 =	vlaneseq.u32;
	s5 =	sshll.u32 s5, $0x6;
	s10 =	sshll.u32 s3, $0xF;
	s8 =	sshrl.u32 s6, $0x1  }
0x9: {  	v3 =	vmul.u32 $0x10, v0;
	v4 =	vmul.u32 $0xFFFFFFFF, v0;
	s5 =	sadd.s32 s1, s5;
	s9 =	sor.u32 s9, s4;
	s7 =	sadd.s32 s7, s10  }
0xa: {  	v1 =	vimm.s32 $0x0;
	v2 =	vimm.s32 $0x1;
	s8 =	ssub.s32 s6, s8;
	s5 =	sadd.s32 s10, s5;
	s6 =	sor.u32 $0x1, s9  }
0xb: {  	v5 =	vimm.s32 $0x80000000;
	v3 =	vadd.s32 $0x1F, v3;
	v4 =	vadd.s32 $0xF, v4;
	s9 =	simm.s32 $0x80;
	s10 =	simm.s32 $0x400;
	s8 =	smax.u32 s8, $0x1  }
.LBB2_1:
0xc: {  	[tilespmem:s2], [sflag:$0x1] =	stream.strided.gather [hbm4b:s5+s9], $0x8000, s10, s9, $0x38;
	[tilespmem:$0x19200] =	vst v63  }
0xd: {  	p0 =	por $0x0, $0x0;
	s16 =	simm.s32 $0x0  }
.LBB2_2:
0xe: {  	s17 =	simm.s32 $0x1;
	s18 =	simm.s32 $0x18020  }
0xf: {  	s17 =	simm.s32 @!p0 $0x0;
	[tilespmem:s18+$0xFFFFFFE0] =	vst v1  }
0x10: {  	[tilespmem:s18+$0x10] =	vst v1;
	s17 =	sshll.u32 s17, $0xF  }
0x11: {  	s19 =	simm.s32 $0x0;
	[tilespmem:s18+$0x0] =	vst v1;
	s17 =	sor.u32 $0x40, s17  }
.LBB2_3:
0x12: {  	s19 =	sadd.s32 $0x4, s19  }
0x13: {  	[tilespmem:s18+$0xFFFFFFF0] =	vst v1;
	s18 =	sadd.s32 $0x40, s18;
	p1 =	slt.u32 s19, $0xFC  }
.Ltmp0:
0x14: {  	[tilespmem:s18+$0xFFFFFFE0] =	vst v1;
	(pc) =	sbr.rel @p1 .LBB2_3-.Ltmp0, $3  }
0x15: {  	_ =	sdelay $0x1  }
0x16: {  	[tilespmem:s18+$0x10] =	vst v1  }
0x17: {  	[tilespmem:s18+$0x0] =	vst v1  }
0x18: {  	[tilespmem:s18+$0xFFFFFFF0] =	vst v1  }
0x19: {  	[tilespmem:$0x19000] =	vst v1  }
0x1a: {  	_ =	swait.ge [sflag:s11], $0x8000  }
0x1b: {  	[sflag:s11] =	ssyncset.done $0x0  }
0x1c: {  	[sflag:s11] =	ssyncadd.s32 $0xFFFF8000  }
0x1d: {  	v6 =	vld [tilespmem:s17+$0x0]  }
0x1e: {  	v7 =	vld [tilespmem:s17+$0xFFFFFFF0]  }
0x1f: {  	v8 =	vld [tilespmem:s17+$0x30]  }
0x20: {  	s20 =	sadd.s32 $0x80, s17;
	v10 =	vld [tilespmem:s17+$0x20]  }
0x21: {  	v25 =	vld [tilespmem:s20+$0x30];
	_ =	sdelay $0x1  }
0x22: {  	v9 =	vld [tilespmem:s17+$0xFFFFFFC0];
	_ =	sdelay $0x1  }
0x23: {  	v11 =	vld [tilespmem:s17+$0xFFFFFFD0];
	v12 =	vshra.s32 v6, $0x1F;
	v13 =	vshra.s32 v7, $0x1F  }
0x24: {  	v14 =	vld [tilespmem:s17+$0x10];
	v15 =	vshra.s32 v8, $0x1F;
	v16 =	vshra.s32 v10, $0x1F;
	v28 =	vshra.s32 v25, $0x1F  }
0x25: {  	v12 =	vor.u32 $0x80000000, v12;
	v13 =	vor.u32 $0x80000000, v13;
	v15 =	vor.u32 $0x80000000, v15  }
0x26: {  	v12 =	vxor.u32 v6, v12;
	v6 =	vxor.u32 v7, v13;
	v13 =	vshra.s32 v9, $0x1F  }
0x27: {  	v8 =	vxor.u32 v8, v15;
	v15 =	vor.u32 $0x80000000, v16;
	v13 =	vor.u32 $0x80000000, v13  }
0x28: {  	v16 =	vshra.s32 v11, $0x1F;
	v7 =	vshrl.u32 v12, $0x14;
	v18 =	vxor.u32 v9, v13  }
0x29: {  	v17 =	vld [tilespmem:s17+$0xFFFFFFE0];
	v9 =	vxor.u32 v10, v15;
	v10 =	vor.u32 $0x80000000, v16;
	v13 =	vshra.s32 v14, $0x1F  }
0x2a: {  	v22 =	vand.u32 $0xFF0, v7;
	v15 =	vshrl.u32 v9, $0x14;
	v16 =	vshrl.u32 v18, $0x14  }
0x2b: {  	v13 =	vor.u32 $0x80000000, v13;
	v22 =	vor.u32 v0, v22;
	v20 =	vand.u32 $0xFF0, v15  }
0x2c: {  	v15 =	vshrl.u32 v8, $0x14;
	v16 =	vand.u32 $0xFF0, v16;
	v14 =	vxor.u32 v14, v13  }
0x2d: {  	s19 =	simm.s32 $0x10040;
	v23 =	vld [tilespmem:s20+$0x0];
	v13 =	vxor.u32 v11, v10;
	v21 =	vand.u32 $0xFF0, v15;
	v24 =	vor.u32 v0, v16  }
0x2e: {  	v26 =	vld [tilespmem:s20+$0xFFFFFFF0];
	[tilespmem:s19+$0x0] =	vst v12;
	v15 =	vshra.s32 v17, $0x1F;
	v7 =	vshrl.u32 v14, $0x14;
	v10 =	vshrl.u32 v13, $0x14  }
0x2f: {  	[tilespmem:s19+$0x20] =	vst v9;
	v9 =	vld [tilespmem:s20+$0xFFFFFFC0];
	v20 =	vor.u32 v0, v20;
	v16 =	vor.u32 $0x80000000, v15;
	v15 =	vshrl.u32 v6, $0x14  }
0x30: {  	[tilespmem:s19+$0x30] =	vst v8;
	v7 =	vand.u32 $0xFF0, v7;
	v27 =	vor.u32 v0, v21;
	v21 =	vld [tilespmem:s20+$0x20];
	v11 =	vxor.u32 v17, v16  }
0x31: {  	[tilespmem:s19+$0xFFFFFFC0] =	vst v18;
	v10 =	vand.u32 $0xFF0, v10;
	v19 =	vor.u32 v0, v7;
	v7 =	vld [tilespmem:s20+$0xFFFFFFD0];
	v12 =	vshrl.u32 v11, $0x14  }
0x32: {  	[tilespmem:s19+$0x10] =	vst v14;
	v14 =	vld [tilespmem:s20+$0x10];
	v17 =	vshra.s32 v23, $0x1F;
	v16 =	vor.u32 v0, v10;
	v12 =	vand.u32 $0xFF0, v12  }
0x33: {  	v10 =	vld [tilespmem:s20+$0xFFFFFFE0];
	[tilespmem:s19+$0xFFFFFFE0] =	vst v11;
	v17 =	vor.u32 $0x80000000, v17;
	v11 =	vor.u32 v0, v12;
	v12 =	vshra.s32 v26, $0x1F  }
0x34: {  	s31 =	sshll.u32 s16, $0xF;
	s21 =	simm.s32 $0x8;
	s22 =	simm.s32 $0x100C0;
	v18 =	vxor.u32 v23, v17;
	v23 =	vor.u32 $0x80000000, v28;
	[tilespmem:v24+s12+$0x0] =	vst.idx.add.s32.msk $0xffff, v2;
	v8 =	vor.u32 $0x80000000, v12  }
0x35: {  	s18 =	sand.u32 $0x8000, s31;
	s23 =	sadd.s32 $0x80, s20;
	s20 =	simm.s32 $0x100C0;
	v17 =	vshrl.u32 v18, $0x14;
	[tilespmem:v27+s12+$0x0] =	vst.idx.add.s32.msk $0xffff, v2;
	v12 =	vxor.u32 v26, v8;
	v8 =	vxor.u32 v25, v23  }
.LBB2_5:
0x36: {  	s21 =	sadd.s32 $0x8, s21;
	v23 =	vshra.s32 v9, $0x1F;
	v24 =	vshra.s32 v7, $0x1F;
	v25 =	vshra.s32 v21, $0x1F;
	s22 =	sadd.s32 $0x80, s22;
	[tilespmem:v19+s12+$0x0] =	vst.idx.add.s32.msk $0xffff, v2  }
0x37: {  	v15 =	vand.u32 $0xFF0, v15;
	p1 =	slt.u32 s21, $0x7F8;
	v19 =	vor.u32 $0x80000000, v23;
	v23 =	vor.u32 $0x80000000, v25;
	[tilespmem:v20+s12+$0x0] =	vst.idx.add.s32.msk $0xffff, v2  }
0x38: {  	v20 =	vor.u32 $0x80000000, v24;
	v25 =	vld [tilespmem:s23+$0x0];
	v19 =	vxor.u32 v9, v19;
	v9 =	vxor.u32 v21, v23;
	[tilespmem:s19+$0xFFFFFFD0] =	vst v13  }
0x39: {  	v13 =	vshra.s32 v14, $0x1F;
	v21 =	vor.u32 v0, v15;
	v23 =	vld [tilespmem:s23+$0xFFFFFFF0];
	[tilespmem:s20+$0x20] =	vst v9;
	v9 =	vshrl.u32 v9, $0x14  }
0x3a: {  	v26 =	vshrl.u32 v8, $0x14;
	v15 =	vshrl.u32 v19, $0x14;
	v24 =	vand.u32 $0xFF0, v9;
	[tilespmem:v22+s12+$0x0] =	vst.idx.add.s32.msk $0xffff, v2  }
0x3b: {  	v13 =	vor.u32 $0x80000000, v13;
	v15 =	vand.u32 $0xFF0, v15;
	v22 =	vand.u32 $0xFF0, v26;
	v9 =	vld [tilespmem:s23+$0xFFFFFFC0];
	[tilespmem:s20+$0xFFFFFFC0] =	vst v19  }
0x3c: {  	v14 =	vxor.u32 v14, v13;
	v26 =	vor.u32 v0, v15;
	v15 =	vshra.s32 v10, $0x1F;
	[tilespmem:v16+s12+$0x0] =	vst.idx.add.s32.msk $0xffff, v2  }
0x3d: {  	v17 =	vand.u32 $0xFF0, v17;
	v16 =	vor.u32 $0x80000000, v15;
	v27 =	vld [tilespmem:s23+$0x30];
	[tilespmem:s20+$0x0] =	vst v18;
	v18 =	vshrl.u32 v14, $0x14  }
0x3e: {  	v13 =	vxor.u32 v7, v20;
	v15 =	vshrl.u32 v12, $0x14;
	v7 =	vld [tilespmem:s23+$0xFFFFFFD0];
	v18 =	vand.u32 $0xFF0, v18;
	[tilespmem:s19+$0xFFFFFFF0] =	vst v6;
	v6 =	vmovc v12;
	s19 =	smov.u32 s20;
	s20 =	smov.u32 s22  }
0x3f: {  	v10 =	vxor.u32 v10, v16;
	v12 =	vshrl.u32 v13, $0x14;
	v19 =	vor.u32 v0, v18;
	[tilespmem:v11+s12+$0x0] =	vst.idx.add.s32.msk $0xffff, v2  }
0x40: {  	v20 =	vor.u32 v0, v24;
	v24 =	vor.u32 v0, v22;
	v11 =	vshrl.u32 v10, $0x14;
	[tilespmem:v21+s12+$0x0] =	vst.idx.add.s32.msk $0xffff, v2  }
.Ltmp1:
0x41: {  	v18 =	vshra.s32 v25, $0x1F;
	v12 =	vand.u32 $0xFF0, v12;
	v11 =	vand.u32 $0xFF0, v11;
	v21 =	vld [tilespmem:s23+$0x20];
	[tilespmem:s19+$0x10] =	vst v14;
	(pc) =	sbr.rel @p1 .LBB2_5-.Ltmp1, $4  }
0x42: {  	v16 =	vor.u32 v0, v12;
	v11 =	vor.u32 v0, v11;
	v14 =	vld [tilespmem:s23+$0x10];
	v28 =	vshra.s32 v27, $0x1F;
	[tilespmem:s19+$0xFFFFFFE0] =	vst v10  }
0x43: {  	v22 =	vor.u32 v0, v17;
	v12 =	vshra.s32 v23, $0x1F;
	v18 =	vor.u32 $0x80000000, v18;
	v10 =	vld [tilespmem:s23+$0xFFFFFFE0];
	[tilespmem:s19+$0x30] =	vst v8  }
0x44: {  	v18 =	vxor.u32 v25, v18;
	v8 =	vor.u32 $0x80000000, v12;
	v25 =	vor.u32 $0x80000000, v28;
	[tilespmem:v26+s12+$0x0] =	vst.idx.add.s32.msk $0xffff, v2  }
0x45: {  	v17 =	vshrl.u32 v18, $0x14;
	s23 =	sadd.s32 $0x80, s23;
	v12 =	vxor.u32 v23, v8;
	v8 =	vxor.u32 v27, v25;
	[tilespmem:v24+s12+$0x0] =	vst.idx.add.s32.msk $0xffff, v2  }
0x46: {  	_ =	sdelay $0x3  }
0x47: {  	[tilespmem:v19+s12+$0x0] =	vst.idx.add.s32.msk $0xffff, v2  }
0x48: {  	[tilespmem:v20+s12+$0x0] =	vst.idx.add.s32.msk $0xffff, v2  }
0x49: {  	[tilespmem:s19+$0xFFFFFFD0] =	vst v13  }
0x4a: {  	[tilespmem:v22+s12+$0x0] =	vst.idx.add.s32.msk $0xffff, v2  }
0x4b: {  	v23 =	vshra.s32 v21, $0x1F;
	[tilespmem:s20+$0x0] =	vst v18  }
0x4c: {  	v63 =	vshra.s32 v9, $0x1F;
	v15 =	vand.u32 $0xFF0, v15;
	v26 =	vshra.s32 v7, $0x1F;
	[tilespmem:s19+$0xFFFFFFF0] =	vst v6  }
0x4d: {  	v28 =	vshrl.u32 v8, $0x14;
	[tilespmem:v11+s12+$0x0] =	vst.idx.add.s32.msk $0xffff, v2;
	v36 =	vand.u32 $0xFF0, v17;
	v62 =	vor.u32 $0x80000000, v23  }
0x4e: {  	[tilespmem:s20+$0x30] =	vst v8;
	v24 =	vor.u32 $0x80000000, v63;
	v15 =	vor.u32 v0, v15;
	v13 =	vor.u32 $0x80000000, v26  }
0x4f: {  	v27 =	vshra.s32 v14, $0x1F;
	[tilespmem:v16+s12+$0x0] =	vst.idx.add.s32.msk $0xffff, v2;
	v16 =	vand.u32 $0xFF0, v28;
	v25 =	vxor.u32 v9, v24  }
0x50: {  	[tilespmem:s20+$0xFFFFFFF0] =	vst v12;
	v19 =	vxor.u32 v21, v62;
	v20 =	vor.u32 $0x80000000, v27;
	v9 =	vshrl.u32 v25, $0x14  }
0x51: {  	v30 =	vshra.s32 v10, $0x1F;
	v16 =	vor.u32 v0, v16;
	[tilespmem:s20+$0x20] =	vst v19;
	v9 =	vand.u32 $0xFF0, v9  }
0x52: {  	v7 =	vxor.u32 v7, v13;
	v13 =	vor.u32 v0, v36;
	[tilespmem:s20+$0xFFFFFFC0] =	vst v25;
	v6 =	vor.u32 v0, v9  }
0x53: {  	v19 =	vshrl.u32 v19, $0x14;
	v29 =	vxor.u32 v14, v20;
	v37 =	vshrl.u32 v7, $0x14;
	[tilespmem:s20+$0xFFFFFFD0] =	vst v7  }
0x54: {  	v31 =	vshrl.u32 v29, $0x14;
	v33 =	vand.u32 $0xFF0, v19;
	[tilespmem:s20+$0x10] =	vst v29;
	v9 =	vor.u32 $0x80000000, v30  }
0x55: {  	v38 =	vand.u32 $0xFF0, v37;
	v35 =	vor.u32 v0, v33;
	[tilespmem:v15+s12+$0x0] =	vst.idx.add.s32.msk $0xffff, v2;
	v9 =	vxor.u32 v10, v9  }
0x56: {  	v39 =	vshrl.u32 v12, $0x14;
	v32 =	vand.u32 $0xFF0, v31;
	v8 =	vor.u32 v0, v38;
	[tilespmem:s20+$0xFFFFFFE0] =	vst v9  }
0x57: {  	v34 =	vor.u32 v0, v32;
	[tilespmem:v6+s12+$0x0] =	vst.idx.add.s32.msk $0xffff, v2;
	v6 =	vshrl.u32 v9, $0x14;
	v9 =	vand.u32 $0xFF0, v39  }
0x58: {  	[tilespmem:v16+s12+$0x0] =	vst.idx.add.s32.msk $0xffff, v2;
	v6 =	vand.u32 $0xFF0, v6;
	v7 =	vor.u32 v0, v9  }
0x59: {  	[tilespmem:v13+s12+$0x0] =	vst.idx.add.s32.msk $0xffff, v2;
	v6 =	vor.u32 v0, v6  }
0x5a: {  	[tilespmem:v35+s12+$0x0] =	vst.idx.add.s32.msk $0xffff, v2  }
0x5b: {  	[tilespmem:v8+s12+$0x0] =	vst.idx.add.s32.msk $0xffff, v2  }
0x5c: {  	[tilespmem:v34+s12+$0x0] =	vst.idx.add.s32.msk $0xffff, v2  }
0x5d: {  	p1 =	seq.s32 s16, $0x0;
	[tilespmem:v7+s12+$0x0] =	vst.idx.add.s32.msk $0xffff, v2  }
0x5e: {  	s19 =	simm.s32 @!p1 $0x2;
	[tilespmem:v6+s12+$0x0] =	vst.idx.add.s32.msk $0xffff, v2  }
0x5f: {  	p2 =	seq.s32 @!p1 s16, $0x3;
	_ =	swait.ge @!p1 [sflag:s19], $0x8000  }
0x60: {  	p2 =	por p1, !p2;
	[sflag:s19] =	ssyncset.done @!p1 $0x0  }
0x61: {  	[sflag:s19] =	ssyncadd.s32 @!p1 $0xFFFF8000;
	s19 =	sadd.s32 @p2 s16, s6  }
0x62: {  	s20 =	sshll.u32 @p2 s19, $0x4  }
0x63: {  	s19 =	sshll.u32 @p2 s19, $0xC;
	s20 =	sand.u32 @p2 $0x70, s20  }
0x64: {  	s19 =	sand.u32 @p2 $0xFFF8000, s19;
	s20 =	sadd.s32 @p2 s1, s20  }
0x65: {  	s21 =	ssub.s32 @p2 $0x8000, s18;
	s19 =	sadd.s32 @p2 s19, s20  }
0x66: {  	[tilespmem:s21], [sflag:$0x1] =	stream.strided.gather @p2 [hbm4b:s19+s9], $0x8000, s10, s9, $0x38;
	[tilespmem:$0x19200] =	vst v63  }
0x67: {  	s19 =	simm.s32 $0x18100  }
0x68: {  	v6 =	vld [tilespmem:s19+$0xFFFFFF00]  }
0x69: {  	v7 =	vld [tilespmem:s19+$0xFFFFFF10]  }
0x6a: {  	v40 =	vld [tilespmem:s19+$0xFFFFFF20]  }
0x6b: {  	v41 =	vld [tilespmem:s19+$0xFFFFFF30]  }
0x6c: {  	v42 =	vld [tilespmem:s19+$0xFFFFFF40]  }
0x6d: {  	v43 =	vld [tilespmem:s19+$0xFFFFFF50]  }
0x6e: {  	v6 =	vadd.s32 v6, v7;
	v7 =	vld [tilespmem:s19+$0xFFFFFF60]  }
0x6f: {  	v44 =	vld [tilespmem:s19+$0xFFFFFF70];
	v6 =	vadd.s32 v40, v6  }
0x70: {  	v45 =	vld [tilespmem:s19+$0xFFFFFF80];
	v6 =	vadd.s32 v41, v6  }
0x71: {  	v46 =	vld [tilespmem:s19+$0xFFFFFF90];
	v6 =	vadd.s32 v42, v6  }
0x72: {  	v47 =	vld [tilespmem:s19+$0xFFFFFFA0];
	v6 =	vadd.s32 v43, v6  }
0x73: {  	v6 =	vadd.s32 v7, v6;
	v7 =	vld [tilespmem:s19+$0xFFFFFFB0]  }
0x74: {  	v48 =	vld [tilespmem:s19+$0xFFFFFFC0];
	v6 =	vadd.s32 v44, v6  }
0x75: {  	v49 =	vld [tilespmem:s19+$0xFFFFFFD0];
	v6 =	vadd.s32 v45, v6  }
0x76: {  	v50 =	vld [tilespmem:s19+$0xFFFFFFE0];
	v6 =	vadd.s32 v46, v6  }
0x77: {  	v51 =	vld [tilespmem:s19+$0xFFFFFFF0];
	v6 =	vadd.s32 v47, v6  }
0x78: {  	v6 =	vadd.s32 v7, v6  }
0x79: {  	v6 =	vadd.s32 v48, v6  }
0x7a: {  	v6 =	vadd.s32 v49, v6  }
0x7b: {  	v6 =	vadd.s32 v50, v6  }
0x7c: {  	v6 =	vadd.s32 v51, v6  }
0x7d: {  	(xrf0) =	vadd.scan.msk.s32 $0xffff, v6;
	_ =	sdelay $0x5  }
0x7e: {  	s20 =	simm.s32 $0x190A0;
	v6, _, _ =	vpop (xrf0)  }
0x7f: {  	[tilespmem:s20+$0xFFFFFFF0] =	vst v6  }
0x80: {  	v6 =	vld [tilespmem:s19+$0x0]  }
0x81: {  	v7 =	vld [tilespmem:s19+$0x10]  }
0x82: {  	v52 =	vld [tilespmem:s19+$0x20]  }
0x83: {  	v53 =	vld [tilespmem:s19+$0x30]  }
0x84: {  	v54 =	vld [tilespmem:s19+$0x40]  }
0x85: {  	v55 =	vld [tilespmem:s19+$0x50]  }
0x86: {  	v56 =	vld [tilespmem:s19+$0x60];
	v6 =	vadd.s32 v6, v7  }
0x87: {  	v7 =	vld [tilespmem:s19+$0x70];
	v6 =	vadd.s32 v52, v6  }
0x88: {  	v57 =	vld [tilespmem:s19+$0x80];
	v6 =	vadd.s32 v53, v6  }
0x89: {  	v58 =	vld [tilespmem:s19+$0x90];
	v6 =	vadd.s32 v54, v6  }
0x8a: {  	v59 =	vld [tilespmem:s19+$0xA0];
	v6 =	vadd.s32 v55, v6  }
0x8b: {  	v60 =	vld [tilespmem:s19+$0xB0];
	v6 =	vadd.s32 v56, v6  }
0x8c: {  	v61 =	vld [tilespmem:s19+$0xC0];
	v6 =	vadd.s32 v7, v6  }
0x8d: {  	v7 =	vld [tilespmem:s19+$0xD0];
	v6 =	vadd.s32 v57, v6  }
0x8e: {  	v62 =	vld [tilespmem:s19+$0xE0];
	v6 =	vadd.s32 v58, v6  }
0x8f: {  	v63 =	vld [tilespmem:s19+$0xF0];
	v6 =	vadd.s32 v59, v6  }
0x90: {  	v6 =	vadd.s32 v60, v6  }
0x91: {  	v6 =	vadd.s32 v61, v6  }
0x92: {  	v6 =	vadd.s32 v7, v6  }
0x93: {  	v6 =	vadd.s32 v62, v6  }
0x94: {  	v6 =	vadd.s32 v63, v6  }
0x95: {  	s22 =	simm.s32 $0x190A0;
	s21 =	simm.s32 $0x0;
	(xrf0) =	vadd.scan.msk.s32 $0xffff, v6  }
.LBB2_7:
0x96: {  	_ =	sdelay $0x3  }
0x97: {  	s21 =	sadd.s32 $0x2, s21;
	s20 =	sadd.s32 $0x20, s20;
	s19 =	sadd.s32 $0x200, s19  }
0x98: {  	p1 =	slt.u32 s21, $0xE;
	v6, _, _ =	vpop (xrf0)  }
0x99: {  	[tilespmem:s22+$0x0] =	vst v6;
	s22 =	smov.u32 s20  }
0x9a: {  	v6 =	vld [tilespmem:s19+$0xFFFFFF00]  }
0x9b: {  	v7 =	vld [tilespmem:s19+$0xFFFFFF10]  }
0x9c: {  	v8 =	vld [tilespmem:s19+$0xFFFFFF20]  }
0x9d: {  	v9 =	vld [tilespmem:s19+$0xFFFFFF30]  }
0x9e: {  	v10 =	vld [tilespmem:s19+$0xFFFFFF40]  }
0x9f: {  	v11 =	vld [tilespmem:s19+$0xFFFFFF50]  }
0xa0: {  	v6 =	vadd.s32 v6, v7;
	v7 =	vld [tilespmem:s19+$0xFFFFFF60]  }
0xa1: {  	v6 =	vadd.s32 v8, v6;
	v8 =	vld [tilespmem:s19+$0xFFFFFF70]  }
0xa2: {  	v6 =	vadd.s32 v9, v6;
	v9 =	vld [tilespmem:s19+$0xFFFFFF80]  }
0xa3: {  	v6 =	vadd.s32 v10, v6;
	v10 =	vld [tilespmem:s19+$0xFFFFFF90]  }
0xa4: {  	v6 =	vadd.s32 v11, v6;
	v11 =	vld [tilespmem:s19+$0xFFFFFFA0]  }
0xa5: {  	v6 =	vadd.s32 v7, v6;
	v7 =	vld [tilespmem:s19+$0xFFFFFFB0]  }
0xa6: {  	v6 =	vadd.s32 v8, v6;
	v8 =	vld [tilespmem:s19+$0xFFFFFFC0]  }
0xa7: {  	v6 =	vadd.s32 v9, v6;
	v9 =	vld [tilespmem:s19+$0xFFFFFFD0]  }
0xa8: {  	v6 =	vadd.s32 v10, v6;
	v10 =	vld [tilespmem:s19+$0xFFFFFFE0]  }
0xa9: {  	v6 =	vadd.s32 v11, v6;
	v11 =	vld [tilespmem:s19+$0xFFFFFFF0]  }
0xaa: {  	v6 =	vadd.s32 v7, v6  }
0xab: {  	v6 =	vadd.s32 v8, v6  }
0xac: {  	v6 =	vadd.s32 v9, v6  }
0xad: {  	v6 =	vadd.s32 v10, v6  }
0xae: {  	v6 =	vadd.s32 v11, v6  }
0xaf: {  	(xrf0) =	vadd.scan.msk.s32 $0xffff, v6;
	_ =	sdelay $0x5  }
0xb0: {  	v6, _, _ =	vpop (xrf0)  }
0xb1: {  	[tilespmem:s20+$0xFFFFFFF0] =	vst v6  }
0xb2: {  	v6 =	vld [tilespmem:s19+$0x20]  }
0xb3: {  	v7 =	vld [tilespmem:s19+$0x0]  }
0xb4: {  	v8 =	vld [tilespmem:s19+$0x10]  }
0xb5: {  	v9 =	vld [tilespmem:s19+$0x30]  }
0xb6: {  	v10 =	vld [tilespmem:s19+$0x40]  }
0xb7: {  	v11 =	vld [tilespmem:s19+$0x50]  }
0xb8: {  	v12 =	vld [tilespmem:s19+$0x60]  }
0xb9: {  	v7 =	vadd.s32 v7, v8;
	v8 =	vld [tilespmem:s19+$0x70]  }
0xba: {  	v6 =	vadd.s32 v6, v7;
	v7 =	vld [tilespmem:s19+$0x80]  }
0xbb: {  	v6 =	vadd.s32 v9, v6;
	v9 =	vld [tilespmem:s19+$0x90]  }
0xbc: {  	v6 =	vadd.s32 v10, v6;
	v10 =	vld [tilespmem:s19+$0xA0]  }
0xbd: {  	v6 =	vadd.s32 v11, v6;
	v11 =	vld [tilespmem:s19+$0xB0]  }
0xbe: {  	v6 =	vadd.s32 v12, v6;
	v12 =	vld [tilespmem:s19+$0xC0]  }
0xbf: {  	v6 =	vadd.s32 v8, v6;
	v8 =	vld [tilespmem:s19+$0xD0]  }
0xc0: {  	v6 =	vadd.s32 v7, v6;
	v7 =	vld [tilespmem:s19+$0xE0]  }
0xc1: {  	v6 =	vadd.s32 v9, v6;
	v9 =	vld [tilespmem:s19+$0xF0]  }
0xc2: {  	v6 =	vadd.s32 v10, v6  }
0xc3: {  	v6 =	vadd.s32 v11, v6  }
.Ltmp2:
0xc4: {  	v6 =	vadd.s32 v12, v6;
	(pc) =	sbr.rel @p1 .LBB2_7-.Ltmp2, $4  }
0xc5: {  	v6 =	vadd.s32 v8, v6  }
0xc6: {  	v6 =	vadd.s32 v7, v6  }
0xc7: {  	v6 =	vadd.s32 v9, v6  }
0xc8: {  	(xrf0) =	vadd.scan.msk.s32 $0xffff, v6  }
0xc9: {  	_ =	sdelay $0x4  }
0xca: {  	v6, _, _ =	vpop (xrf0)  }
0xcb: {  	[tilespmem:s22+$0x0] =	vst v6  }
0xcc: {  	v6 =	vld.idx.msk [tilespmem:v3+s13+$0x0], $0xffff;
	_ =	sdelay $0x4  }
0xcd: {  	v7 =	vperm.xlane v6, v4;
	_ =	sdelay $0x1  }
0xce: {  	(xrf0) =	vadd.scan.msk.s32 $0xffff, v7;
	_ =	sdelay $0x5  }
0xcf: {  	v8, _, _ =	vpop (xrf0)  }
0xd0: {  	vm0 =	vgt.s32 v8, $0x1FFF  }
0xd1: {  	v6 =	vmctz.xlane vm0;
	_ =	sdelay $0x1  }
0xd2: {  	v9 =	vsub.s32 $0x8000000F, v6  }
0xd3: {  	(xrf0) =	vmax.scan.msk.u32 $0xffff, v9;
	_ =	sdelay $0x5  }
0xd4: {  	v9, _, _ =	vpop (xrf0)  }
0xd5: {  	(v2sf) =	vpush v9, $0xF;
	_ =	sdelay $0xe  }
0xd6: {  	s19 =	spop (v2sf)  }
0xd7: {  	v7 =	vsub.s32 v8, v7;
	s19 =	sshll.u32 s19, $0xA  }
0xd8: {  	[tilespmem:$0x19080] =	vst v7;
	s19 =	sshra.s32 s19, $0x2  }
0xd9: {  	v7 =	vld [tilespmem:s19+$0x18000];
	_ =	sdelay $0x4  }
0xda: {  	(xrf0) =	vadd.scan.msk.s32 $0xffff, v7;
	_ =	sdelay $0x5  }
0xdb: {  	v8, _, _ =	vpop (xrf0)  }
0xdc: {  	v7 =	vld.idx.msk [tilespmem:v6+s13+$0x0], $0xffff;
	[tilespmem:$0x19090] =	vst v8  }
0xdd: {  	v8 =	vld [tilespmem:s19+$0x18010];
	_ =	sdelay $0x4  }
0xde: {  	(xrf0) =	vadd.scan.msk.s32 $0xffff, v8;
	_ =	sdelay $0x5  }
0xdf: {  	v8, _, _ =	vpop (xrf0)  }
0xe0: {  	[tilespmem:$0x190A0] =	vst v8  }
0xe1: {  	v8 =	vld [tilespmem:s19+$0x18020];
	_ =	sdelay $0x4  }
0xe2: {  	(xrf0) =	vadd.scan.msk.s32 $0xffff, v8;
	_ =	sdelay $0x5  }
0xe3: {  	v8, _, _ =	vpop (xrf0)  }
0xe4: {  	[tilespmem:$0x190B0] =	vst v8  }
0xe5: {  	v8 =	vld [tilespmem:s19+$0x18030];
	_ =	sdelay $0x4  }
0xe6: {  	(xrf0) =	vadd.scan.msk.s32 $0xffff, v8;
	_ =	sdelay $0x5  }
0xe7: {  	v8, _, _ =	vpop (xrf0)  }
0xe8: {  	[tilespmem:$0x190C0] =	vst v8  }
0xe9: {  	v8 =	vld [tilespmem:s19+$0x18040];
	_ =	sdelay $0x4  }
0xea: {  	(xrf0) =	vadd.scan.msk.s32 $0xffff, v8;
	_ =	sdelay $0x5  }
0xeb: {  	v8, _, _ =	vpop (xrf0)  }
0xec: {  	[tilespmem:$0x190D0] =	vst v8  }
0xed: {  	v8 =	vld [tilespmem:s19+$0x18050];
	_ =	sdelay $0x4  }
0xee: {  	(xrf0) =	vadd.scan.msk.s32 $0xffff, v8;
	_ =	sdelay $0x5  }
0xef: {  	v8, _, _ =	vpop (xrf0)  }
0xf0: {  	[tilespmem:$0x190E0] =	vst v8  }
0xf1: {  	v8 =	vld [tilespmem:s19+$0x18060];
	_ =	sdelay $0x4  }
0xf2: {  	(xrf0) =	vadd.scan.msk.s32 $0xffff, v8;
	_ =	sdelay $0x5  }
0xf3: {  	v8, _, _ =	vpop (xrf0)  }
0xf4: {  	[tilespmem:$0x190F0] =	vst v8  }
0xf5: {  	v8 =	vld [tilespmem:s19+$0x18070];
	_ =	sdelay $0x4  }
0xf6: {  	(xrf0) =	vadd.scan.msk.s32 $0xffff, v8;
	_ =	sdelay $0x5  }
0xf7: {  	v8, _, _ =	vpop (xrf0)  }
0xf8: {  	[tilespmem:$0x19100] =	vst v8  }
0xf9: {  	v8 =	vld [tilespmem:s19+$0x18080];
	_ =	sdelay $0x4  }
0xfa: {  	(xrf0) =	vadd.scan.msk.s32 $0xffff, v8;
	_ =	sdelay $0x5  }
0xfb: {  	v8, _, _ =	vpop (xrf0)  }
0xfc: {  	[tilespmem:$0x19110] =	vst v8  }
0xfd: {  	v8 =	vld [tilespmem:s19+$0x18090];
	_ =	sdelay $0x4  }
0xfe: {  	(xrf0) =	vadd.scan.msk.s32 $0xffff, v8;
	_ =	sdelay $0x5  }
0xff: {  	v8, _, _ =	vpop (xrf0)  }
0x100: {  	[tilespmem:$0x19120] =	vst v8  }
0x101: {  	v8 =	vld [tilespmem:s19+$0x180A0];
	_ =	sdelay $0x4  }
0x102: {  	(xrf0) =	vadd.scan.msk.s32 $0xffff, v8;
	_ =	sdelay $0x5  }
0x103: {  	v8, _, _ =	vpop (xrf0)  }
0x104: {  	[tilespmem:$0x19130] =	vst v8  }
0x105: {  	v8 =	vld [tilespmem:s19+$0x180B0];
	_ =	sdelay $0x4  }
0x106: {  	(xrf0) =	vadd.scan.msk.s32 $0xffff, v8;
	_ =	sdelay $0x5  }
0x107: {  	v8, _, _ =	vpop (xrf0)  }
0x108: {  	[tilespmem:$0x19140] =	vst v8  }
0x109: {  	v8 =	vld [tilespmem:s19+$0x180C0];
	_ =	sdelay $0x4  }
0x10a: {  	(xrf0) =	vadd.scan.msk.s32 $0xffff, v8;
	_ =	sdelay $0x5  }
0x10b: {  	v8, _, _ =	vpop (xrf0)  }
0x10c: {  	[tilespmem:$0x19150] =	vst v8  }
0x10d: {  	v8 =	vld [tilespmem:s19+$0x180D0];
	_ =	sdelay $0x4  }
0x10e: {  	(xrf0) =	vadd.scan.msk.s32 $0xffff, v8;
	_ =	sdelay $0x5  }
0x10f: {  	v8, _, _ =	vpop (xrf0)  }
0x110: {  	[tilespmem:$0x19160] =	vst v8  }
0x111: {  	v8 =	vld [tilespmem:s19+$0x180E0];
	_ =	sdelay $0x4  }
0x112: {  	(xrf0) =	vadd.scan.msk.s32 $0xffff, v8;
	_ =	sdelay $0x5  }
0x113: {  	v8, _, _ =	vpop (xrf0)  }
0x114: {  	[tilespmem:$0x19170] =	vst v8  }
0x115: {  	v8 =	vld [tilespmem:s19+$0x180F0];
	_ =	sdelay $0x4  }
0x116: {  	(xrf0) =	vadd.scan.msk.s32 $0xffff, v8;
	_ =	sdelay $0x5  }
0x117: {  	v8, _, _ =	vpop (xrf0)  }
0x118: {  	[tilespmem:$0x19180] =	vst v8  }
0x119: {  	v8 =	vld.idx.msk [tilespmem:v3+s13+$0x0], $0xffff;
	_ =	sdelay $0x4  }
0x11a: {  	v8 =	vperm.xlane v8, v4;
	_ =	sdelay $0x1  }
0x11b: {  	(xrf0) =	vadd.scan.msk.s32 $0xffff, v8;
	_ =	sdelay $0x5  }
0x11c: {  	v7 =	vsub.s32 $0x2000, v7;
	v10, _, _ =	vpop (xrf0)  }
0x11d: {  	vm15 =	vge.s32 v10, v7  }
0x11e: {  	v9 =	vmctz.xlane vm15;
	_ =	sdelay $0x3  }
0x11f: {  	v8 =	vsub.s32 v10, v8  }
0x120: {  	s19 =	simm.s32 $0x18020;
	[tilespmem:$0x19080] =	vst v8  }
0x121: {  	v8 =	vld.idx.msk [tilespmem:v9+s13+$0x0], $0xffff;
	[tilespmem:s19+$0xFFFFFFE0] =	vst v1  }
0x122: {  	[tilespmem:s19+$0x10] =	vst v1  }
0x123: {  	s20 =	simm.s32 $0x0;
	[tilespmem:s19+$0x0] =	vst v1  }
.LBB2_9:
0x124: {  	s20 =	sadd.s32 $0x4, s20  }
0x125: {  	[tilespmem:s19+$0xFFFFFFF0] =	vst v1;
	s19 =	sadd.s32 $0x40, s19;
	p1 =	slt.u32 s20, $0xFC  }
.Ltmp3:
0x126: {  	[tilespmem:s19+$0xFFFFFFE0] =	vst v1;
	(pc) =	sbr.rel @p1 .LBB2_9-.Ltmp3, $3  }
0x127: {  	_ =	sdelay $0x1  }
0x128: {  	[tilespmem:s19+$0x10] =	vst v1  }
0x129: {  	[tilespmem:s19+$0x0] =	vst v1  }
0x12a: {  	[tilespmem:s19+$0xFFFFFFF0] =	vst v1  }
0x12b: {  	s31 =	simm.s32 $0x10040;
	[tilespmem:$0x19000] =	vst v1  }
0x12c: {  	v10 =	vld [tilespmem:s31+$0x30]  }
0x12d: {  	v6 =	vshll.u32 v6, $0x4;
	v11 =	vld [tilespmem:s31+$0xFFFFFFD0]  }
0x12e: {  	v6 =	vadd.s32 v6, v9;
	v9 =	vld [tilespmem:s31+$0xFFFFFFE0]  }
0x12f: {  	v12 =	vld [tilespmem:s31+$0xFFFFFFF0]  }
0x130: {  	v13 =	vld [tilespmem:s31+$0x0];
	_ =	sdelay $0x1  }
0x131: {  	v6 =	vxor.u32 $0xFFFFFFFF, v6  }
0x132: {  	v14 =	vld [tilespmem:s31+$0x10];
	v6 =	vshll.u32 v6, $0x18  }
0x133: {  	v15 =	vld [tilespmem:s31+$0x20];
	v10 =	vsub.s32 v10, v6;
	v11 =	vsub.s32 v11, v6;
	v9 =	vsub.s32 v9, v6  }
0x134: {  	v16 =	vld [tilespmem:s31+$0xFFFFFFC0];
	v12 =	vsub.s32 v12, v6;
	v13 =	vsub.s32 v13, v6;
	v10 =	vshrl.u32 v10, $0xC  }
0x135: {  	v11 =	vshrl.u32 v11, $0xC;
	v9 =	vshrl.u32 v9, $0xC;
	v10 =	vmin.u32 v10, $0x1000  }
0x136: {  	v12 =	vshrl.u32 v12, $0xC;
	v11 =	vmin.u32 v11, $0x1000;
	v10 =	vand.u32 $0x1FF0, v10  }
0x137: {  	v17 =	vor.u32 v0, v10;
	v10 =	vshrl.u32 v13, $0xC;
	v13 =	vsub.s32 v14, v6  }
0x138: {  	v11 =	vand.u32 $0x1FF0, v11;
	v14 =	vmin.u32 v9, $0x1000;
	v9 =	vshrl.u32 v13, $0xC  }
0x139: {  	v13 =	vsub.s32 v15, v6;
	v15 =	vsub.s32 v16, v6;
	v16 =	vmin.u32 v12, $0x1000  }
0x13a: {  	v10 =	vmin.u32 v10, $0x1000;
	v12 =	vshrl.u32 v13, $0xC;
	v13 =	vshrl.u32 v15, $0xC  }
0x13b: {  	v14 =	vand.u32 $0x1FF0, v14;
	v9 =	vmin.u32 v9, $0x1000;
	v13 =	vmin.u32 v13, $0x1000  }
0x13c: {  	s21 =	simm.s32 $0x0;
	s22 =	simm.s32 $0x100C0;
	v12 =	vmin.u32 v12, $0x1000;
	v15 =	vand.u32 $0x1FF0, v13;
	v13 =	vand.u32 $0x1FF0, v16;
	[tilespmem:v17+s12+$0x0] =	vst.idx.add.s32.msk $0xffff, v2  }
.LBB2_11:
0x13d: {  	v16 =	vld [tilespmem:s22+$0x30];
	s21 =	sadd.s32 $0x8, s21;
	v10 =	vand.u32 $0x1FF0, v10;
	v9 =	vand.u32 $0x1FF0, v9;
	v12 =	vand.u32 $0x1FF0, v12  }
0x13e: {  	v15 =	vor.u32 v0, v15;
	v11 =	vor.u32 v0, v11;
	v14 =	vor.u32 v0, v14;
	v17 =	vld [tilespmem:s22+$0xFFFFFFD0];
	p1 =	slt.u32 s21, $0x7F8  }
0x13f: {  	v13 =	vor.u32 v0, v13;
	v10 =	vor.u32 v0, v10;
	v19 =	vor.u32 v0, v9;
	v18 =	vld [tilespmem:s22+$0xFFFFFFE0]  }
0x140: {  	v20 =	vor.u32 v0, v12;
	v9 =	vld [tilespmem:s22+$0xFFFFFFF0]  }
0x141: {  	v12 =	vld [tilespmem:s22+$0x0]  }
0x142: {  	v21 =	vld [tilespmem:s22+$0x10];
	v16 =	vsub.s32 v16, v6  }
0x143: {  	v17 =	vsub.s32 v17, v6;
	v22 =	vld [tilespmem:s22+$0x20];
	v16 =	vshrl.u32 v16, $0xC  }
0x144: {  	v23 =	vld [tilespmem:s22+$0xFFFFFFC0];
	v17 =	vshrl.u32 v17, $0xC;
	v18 =	vsub.s32 v18, v6;
	v16 =	vmin.u32 v16, $0x1000  }
0x145: {  	v18 =	vshrl.u32 v18, $0xC;
	v9 =	vsub.s32 v9, v6;
	v16 =	vand.u32 $0x1FF0, v16;
	[tilespmem:v15+s12+$0x0] =	vst.idx.add.s32.msk $0xffff, v2  }
0x146: {  	v9 =	vshrl.u32 v9, $0xC;
	v12 =	vsub.s32 v12, v6;
	v15 =	vor.u32 v0, v16;
	[tilespmem:v11+s12+$0x0] =	vst.idx.add.s32.msk $0xffff, v2  }
0x147: {  	v11 =	vmin.u32 v17, $0x1000;
	v12 =	vshrl.u32 v12, $0xC;
	v16 =	vsub.s32 v21, v6;
	[tilespmem:v14+s12+$0x0] =	vst.idx.add.s32.msk $0xffff, v2  }
.Ltmp4:
0x148: {  	v14 =	vmin.u32 v18, $0x1000;
	v16 =	vshrl.u32 v16, $0xC;
	v17 =	vsub.s32 v22, v6;
	[tilespmem:v13+s12+$0x0] =	vst.idx.add.s32.msk $0xffff, v2;
	(pc) =	sbr.rel @p1 .LBB2_11-.Ltmp4, $4  }
0x149: {  	v18 =	vmin.u32 v9, $0x1000;
	v13 =	vsub.s32 v23, v6;
	v17 =	vshrl.u32 v17, $0xC;
	[tilespmem:v10+s12+$0x0] =	vst.idx.add.s32.msk $0xffff, v2  }
0x14a: {  	v10 =	vmin.u32 v12, $0x1000;
	v9 =	vmin.u32 v16, $0x1000;
	v13 =	vshrl.u32 v13, $0xC;
	[tilespmem:v19+s12+$0x0] =	vst.idx.add.s32.msk $0xffff, v2  }
0x14b: {  	s19 =	simm.s32 $0x190A0;
	s20 =	simm.s32 $0x18100;
	v11 =	vand.u32 $0x1FF0, v11;
	v12 =	vmin.u32 v17, $0x1000;
	v13 =	vmin.u32 v13, $0x1000;
	[tilespmem:v15+s12+$0x0] =	vst.idx.add.s32.msk $0xffff, v2  }
0x14c: {  	s22 =	sadd.s32 $0x80, s22;
	v14 =	vand.u32 $0x1FF0, v14;
	v15 =	vand.u32 $0x1FF0, v13;
	v13 =	vand.u32 $0x1FF0, v18;
	[tilespmem:v20+s12+$0x0] =	vst.idx.add.s32.msk $0xffff, v2  }
0x14d: {  	v15 =	vor.u32 v0, v15  }
0x14e: {  	v11 =	vor.u32 v0, v11  }
0x14f: {  	v14 =	vor.u32 v0, v14  }
0x150: {  	v10 =	vand.u32 $0x1FF0, v10;
	v13 =	vor.u32 v0, v13  }
0x151: {  	v9 =	vand.u32 $0x1FF0, v9;
	v10 =	vor.u32 v0, v10  }
0x152: {  	v12 =	vand.u32 $0x1FF0, v12;
	v9 =	vor.u32 v0, v9;
	[tilespmem:v15+s12+$0x0] =	vst.idx.add.s32.msk $0xffff, v2  }
0x153: {  	v12 =	vor.u32 v0, v12;
	[tilespmem:v11+s12+$0x0] =	vst.idx.add.s32.msk $0xffff, v2  }
0x154: {  	[tilespmem:v14+s12+$0x0] =	vst.idx.add.s32.msk $0xffff, v2  }
0x155: {  	[tilespmem:v13+s12+$0x0] =	vst.idx.add.s32.msk $0xffff, v2  }
0x156: {  	[tilespmem:v10+s12+$0x0] =	vst.idx.add.s32.msk $0xffff, v2  }
0x157: {  	[tilespmem:v9+s12+$0x0] =	vst.idx.add.s32.msk $0xffff, v2  }
0x158: {  	[tilespmem:v12+s12+$0x0] =	vst.idx.add.s32.msk $0xffff, v2  }
0x159: {  	v9 =	vld [tilespmem:s20+$0xFFFFFF00]  }
0x15a: {  	v10 =	vld [tilespmem:s20+$0xFFFFFF10]  }
0x15b: {  	v11 =	vld [tilespmem:s20+$0xFFFFFF20]  }
0x15c: {  	v12 =	vld [tilespmem:s20+$0xFFFFFF30]  }
0x15d: {  	v13 =	vld [tilespmem:s20+$0xFFFFFF40]  }
0x15e: {  	v14 =	vld [tilespmem:s20+$0xFFFFFF50]  }
0x15f: {  	v9 =	vadd.s32 v9, v10;
	v10 =	vld [tilespmem:s20+$0xFFFFFF60]  }
0x160: {  	v9 =	vadd.s32 v11, v9;
	v11 =	vld [tilespmem:s20+$0xFFFFFF70]  }
0x161: {  	v50 =	vld [tilespmem:s20+$0xFFFFFF80];
	v9 =	vadd.s32 v12, v9  }
0x162: {  	v51 =	vld [tilespmem:s20+$0xFFFFFF90];
	v9 =	vadd.s32 v13, v9  }
0x163: {  	v52 =	vld [tilespmem:s20+$0xFFFFFFA0];
	v9 =	vadd.s32 v14, v9  }
0x164: {  	v9 =	vadd.s32 v10, v9;
	v10 =	vld [tilespmem:s20+$0xFFFFFFB0]  }
0x165: {  	v9 =	vadd.s32 v11, v9;
	v11 =	vld [tilespmem:s20+$0xFFFFFFC0]  }
0x166: {  	v53 =	vld [tilespmem:s20+$0xFFFFFFD0];
	v9 =	vadd.s32 v50, v9  }
0x167: {  	v54 =	vld [tilespmem:s20+$0xFFFFFFE0];
	v9 =	vadd.s32 v51, v9  }
0x168: {  	v55 =	vld [tilespmem:s20+$0xFFFFFFF0];
	v9 =	vadd.s32 v52, v9  }
0x169: {  	v9 =	vadd.s32 v10, v9  }
0x16a: {  	v9 =	vadd.s32 v11, v9  }
0x16b: {  	v9 =	vadd.s32 v53, v9  }
0x16c: {  	v9 =	vadd.s32 v54, v9  }
0x16d: {  	v9 =	vadd.s32 v55, v9  }
0x16e: {  	(xrf0) =	vadd.scan.msk.s32 $0xffff, v9;
	_ =	sdelay $0x5  }
0x16f: {  	v9, _, _ =	vpop (xrf0)  }
0x170: {  	[tilespmem:s19+$0xFFFFFFF0] =	vst v9  }
0x171: {  	v9 =	vld [tilespmem:s20+$0x0]  }
0x172: {  	v10 =	vld [tilespmem:s20+$0x10]  }
0x173: {  	v11 =	vld [tilespmem:s20+$0x20]  }
0x174: {  	v56 =	vld [tilespmem:s20+$0x30]  }
0x175: {  	v57 =	vld [tilespmem:s20+$0x40]  }
0x176: {  	v58 =	vld [tilespmem:s20+$0x50]  }
0x177: {  	v15 =	vld [tilespmem:s20+$0x60];
	v9 =	vadd.s32 v9, v10  }
0x178: {  	v10 =	vld [tilespmem:s20+$0x70];
	v9 =	vadd.s32 v11, v9  }
0x179: {  	v11 =	vld [tilespmem:s20+$0x80];
	v9 =	vadd.s32 v56, v9  }
0x17a: {  	v59 =	vld [tilespmem:s20+$0x90];
	v9 =	vadd.s32 v57, v9  }
0x17b: {  	v60 =	vld [tilespmem:s20+$0xA0];
	v9 =	vadd.s32 v58, v9  }
0x17c: {  	v61 =	vld [tilespmem:s20+$0xB0];
	v9 =	vadd.s32 v15, v9  }
0x17d: {  	v62 =	vld [tilespmem:s20+$0xC0];
	v9 =	vadd.s32 v10, v9  }
0x17e: {  	v10 =	vld [tilespmem:s20+$0xD0];
	v9 =	vadd.s32 v11, v9  }
0x17f: {  	v11 =	vld [tilespmem:s20+$0xE0];
	v9 =	vadd.s32 v59, v9  }
0x180: {  	v63 =	vld [tilespmem:s20+$0xF0];
	v9 =	vadd.s32 v60, v9  }
0x181: {  	v9 =	vadd.s32 v61, v9  }
0x182: {  	v9 =	vadd.s32 v62, v9  }
0x183: {  	v9 =	vadd.s32 v10, v9  }
0x184: {  	v9 =	vadd.s32 v11, v9  }
0x185: {  	v9 =	vadd.s32 v63, v9  }
0x186: {  	s21 =	simm.s32 $0x0;
	s22 =	simm.s32 $0x190A0;
	(xrf0) =	vadd.scan.msk.s32 $0xffff, v9  }
.LBB2_13:
0x187: {  	_ =	sdelay $0x3  }
0x188: {  	s21 =	sadd.s32 $0x2, s21;
	s19 =	sadd.s32 $0x20, s19;
	s20 =	sadd.s32 $0x200, s20  }
0x189: {  	p1 =	slt.u32 s21, $0xE;
	v9, _, _ =	vpop (xrf0)  }
0x18a: {  	[tilespmem:s22+$0x0] =	vst v9;
	s22 =	smov.u32 s19  }
0x18b: {  	v9 =	vld [tilespmem:s20+$0xFFFFFF00]  }
0x18c: {  	v10 =	vld [tilespmem:s20+$0xFFFFFF10]  }
0x18d: {  	v11 =	vld [tilespmem:s20+$0xFFFFFF20]  }
0x18e: {  	v12 =	vld [tilespmem:s20+$0xFFFFFF30]  }
0x18f: {  	v13 =	vld [tilespmem:s20+$0xFFFFFF40]  }
0x190: {  	v14 =	vld [tilespmem:s20+$0xFFFFFF50]  }
0x191: {  	v9 =	vadd.s32 v9, v10;
	v10 =	vld [tilespmem:s20+$0xFFFFFF60]  }
0x192: {  	v9 =	vadd.s32 v11, v9;
	v11 =	vld [tilespmem:s20+$0xFFFFFF70]  }
0x193: {  	v9 =	vadd.s32 v12, v9;
	v12 =	vld [tilespmem:s20+$0xFFFFFF80]  }
0x194: {  	v9 =	vadd.s32 v13, v9;
	v13 =	vld [tilespmem:s20+$0xFFFFFF90]  }
0x195: {  	v9 =	vadd.s32 v14, v9;
	v14 =	vld [tilespmem:s20+$0xFFFFFFA0]  }
0x196: {  	v9 =	vadd.s32 v10, v9;
	v10 =	vld [tilespmem:s20+$0xFFFFFFB0]  }
0x197: {  	v9 =	vadd.s32 v11, v9;
	v11 =	vld [tilespmem:s20+$0xFFFFFFC0]  }
0x198: {  	v9 =	vadd.s32 v12, v9;
	v12 =	vld [tilespmem:s20+$0xFFFFFFD0]  }
0x199: {  	v9 =	vadd.s32 v13, v9;
	v13 =	vld [tilespmem:s20+$0xFFFFFFE0]  }
0x19a: {  	v9 =	vadd.s32 v14, v9;
	v14 =	vld [tilespmem:s20+$0xFFFFFFF0]  }
0x19b: {  	v9 =	vadd.s32 v10, v9  }
0x19c: {  	v9 =	vadd.s32 v11, v9  }
0x19d: {  	v9 =	vadd.s32 v12, v9  }
0x19e: {  	v9 =	vadd.s32 v13, v9  }
0x19f: {  	v9 =	vadd.s32 v14, v9  }
0x1a0: {  	(xrf0) =	vadd.scan.msk.s32 $0xffff, v9;
	_ =	sdelay $0x5  }
0x1a1: {  	v9, _, _ =	vpop (xrf0)  }
0x1a2: {  	[tilespmem:s19+$0xFFFFFFF0] =	vst v9  }
0x1a3: {  	v9 =	vld [tilespmem:s20+$0x20]  }
0x1a4: {  	v10 =	vld [tilespmem:s20+$0x0]  }
0x1a5: {  	v11 =	vld [tilespmem:s20+$0x10]  }
0x1a6: {  	v12 =	vld [tilespmem:s20+$0x30]  }
0x1a7: {  	v13 =	vld [tilespmem:s20+$0x40]  }
0x1a8: {  	v14 =	vld [tilespmem:s20+$0x50]  }
0x1a9: {  	v15 =	vld [tilespmem:s20+$0x60]  }
0x1aa: {  	v10 =	vadd.s32 v10, v11;
	v11 =	vld [tilespmem:s20+$0x70]  }
0x1ab: {  	v9 =	vadd.s32 v9, v10;
	v10 =	vld [tilespmem:s20+$0x80]  }
0x1ac: {  	v9 =	vadd.s32 v12, v9;
	v12 =	vld [tilespmem:s20+$0x90]  }
0x1ad: {  	v9 =	vadd.s32 v13, v9;
	v13 =	vld [tilespmem:s20+$0xA0]  }
0x1ae: {  	v9 =	vadd.s32 v14, v9;
	v14 =	vld [tilespmem:s20+$0xB0]  }
0x1af: {  	v9 =	vadd.s32 v15, v9;
	v15 =	vld [tilespmem:s20+$0xC0]  }
0x1b0: {  	v9 =	vadd.s32 v11, v9;
	v11 =	vld [tilespmem:s20+$0xD0]  }
0x1b1: {  	v9 =	vadd.s32 v10, v9;
	v10 =	vld [tilespmem:s20+$0xE0]  }
0x1b2: {  	v9 =	vadd.s32 v12, v9;
	v12 =	vld [tilespmem:s20+$0xF0]  }
0x1b3: {  	v9 =	vadd.s32 v13, v9  }
0x1b4: {  	v9 =	vadd.s32 v14, v9  }
.Ltmp5:
0x1b5: {  	v9 =	vadd.s32 v15, v9;
	(pc) =	sbr.rel @p1 .LBB2_13-.Ltmp5, $4  }
0x1b6: {  	v9 =	vadd.s32 v11, v9  }
0x1b7: {  	v9 =	vadd.s32 v10, v9  }
0x1b8: {  	v9 =	vadd.s32 v12, v9  }
0x1b9: {  	(xrf0) =	vadd.scan.msk.s32 $0xffff, v9  }
0x1ba: {  	_ =	sdelay $0x4  }
0x1bb: {  	v9, _, _ =	vpop (xrf0)  }
0x1bc: {  	[tilespmem:s22+$0x0] =	vst v9  }
0x1bd: {  	v9 =	vld.idx.msk [tilespmem:v3+s13+$0x0], $0xffff;
	_ =	sdelay $0x4  }
0x1be: {  	v10 =	vperm.xlane v9, v4;
	_ =	sdelay $0x1  }
0x1bf: {  	(xrf0) =	vadd.scan.msk.s32 $0xffff, v10;
	_ =	sdelay $0x5  }
0x1c0: {  	v7 =	vsub.s32 v7, v8;
	v8, _, _ =	vpop (xrf0)  }
0x1c1: {  	vm0 =	vge.s32 v8, v7  }
0x1c2: {  	v9 =	vmctz.xlane vm0;
	_ =	sdelay $0x1  }
0x1c3: {  	v11 =	vsub.s32 $0x8000000F, v9  }
0x1c4: {  	(xrf0) =	vmax.scan.msk.u32 $0xffff, v11;
	_ =	sdelay $0x5  }
0x1c5: {  	v11, _, _ =	vpop (xrf0)  }
0x1c6: {  	(v2sf) =	vpush v11, $0xF;
	_ =	sdelay $0xe  }
0x1c7: {  	s19 =	spop (v2sf)  }
0x1c8: {  	v8 =	vsub.s32 v8, v10;
	s19 =	sshll.u32 s19, $0xA  }
0x1c9: {  	[tilespmem:$0x19080] =	vst v8;
	s19 =	sshra.s32 s19, $0x2  }
0x1ca: {  	v8 =	vld [tilespmem:s19+$0x18000];
	_ =	sdelay $0x4  }
0x1cb: {  	(xrf0) =	vadd.scan.msk.s32 $0xffff, v8;
	_ =	sdelay $0x5  }
0x1cc: {  	v10, _, _ =	vpop (xrf0)  }
0x1cd: {  	v8 =	vld.idx.msk [tilespmem:v9+s13+$0x0], $0xffff;
	[tilespmem:$0x19090] =	vst v10  }
0x1ce: {  	v10 =	vld [tilespmem:s19+$0x18010];
	_ =	sdelay $0x4  }
0x1cf: {  	(xrf0) =	vadd.scan.msk.s32 $0xffff, v10;
	_ =	sdelay $0x5  }
0x1d0: {  	v10, _, _ =	vpop (xrf0)  }
0x1d1: {  	[tilespmem:$0x190A0] =	vst v10  }
0x1d2: {  	v10 =	vld [tilespmem:s19+$0x18020];
	_ =	sdelay $0x4  }
0x1d3: {  	(xrf0) =	vadd.scan.msk.s32 $0xffff, v10;
	_ =	sdelay $0x5  }
0x1d4: {  	v10, _, _ =	vpop (xrf0)  }
0x1d5: {  	[tilespmem:$0x190B0] =	vst v10  }
0x1d6: {  	v10 =	vld [tilespmem:s19+$0x18030];
	_ =	sdelay $0x4  }
0x1d7: {  	(xrf0) =	vadd.scan.msk.s32 $0xffff, v10;
	_ =	sdelay $0x5  }
0x1d8: {  	v10, _, _ =	vpop (xrf0)  }
0x1d9: {  	[tilespmem:$0x190C0] =	vst v10  }
0x1da: {  	v10 =	vld [tilespmem:s19+$0x18040];
	_ =	sdelay $0x4  }
0x1db: {  	(xrf0) =	vadd.scan.msk.s32 $0xffff, v10;
	_ =	sdelay $0x5  }
0x1dc: {  	v10, _, _ =	vpop (xrf0)  }
0x1dd: {  	[tilespmem:$0x190D0] =	vst v10  }
0x1de: {  	v10 =	vld [tilespmem:s19+$0x18050];
	_ =	sdelay $0x4  }
0x1df: {  	(xrf0) =	vadd.scan.msk.s32 $0xffff, v10;
	_ =	sdelay $0x5  }
0x1e0: {  	v10, _, _ =	vpop (xrf0)  }
0x1e1: {  	[tilespmem:$0x190E0] =	vst v10  }
0x1e2: {  	v10 =	vld [tilespmem:s19+$0x18060];
	_ =	sdelay $0x4  }
0x1e3: {  	(xrf0) =	vadd.scan.msk.s32 $0xffff, v10;
	_ =	sdelay $0x5  }
0x1e4: {  	v10, _, _ =	vpop (xrf0)  }
0x1e5: {  	[tilespmem:$0x190F0] =	vst v10  }
0x1e6: {  	v10 =	vld [tilespmem:s19+$0x18070];
	_ =	sdelay $0x4  }
0x1e7: {  	(xrf0) =	vadd.scan.msk.s32 $0xffff, v10;
	_ =	sdelay $0x5  }
0x1e8: {  	v10, _, _ =	vpop (xrf0)  }
0x1e9: {  	[tilespmem:$0x19100] =	vst v10  }
0x1ea: {  	v10 =	vld [tilespmem:s19+$0x18080];
	_ =	sdelay $0x4  }
0x1eb: {  	(xrf0) =	vadd.scan.msk.s32 $0xffff, v10;
	_ =	sdelay $0x5  }
0x1ec: {  	v10, _, _ =	vpop (xrf0)  }
0x1ed: {  	[tilespmem:$0x19110] =	vst v10  }
0x1ee: {  	v10 =	vld [tilespmem:s19+$0x18090];
	_ =	sdelay $0x4  }
0x1ef: {  	(xrf0) =	vadd.scan.msk.s32 $0xffff, v10;
	_ =	sdelay $0x5  }
0x1f0: {  	v10, _, _ =	vpop (xrf0)  }
0x1f1: {  	[tilespmem:$0x19120] =	vst v10  }
0x1f2: {  	v10 =	vld [tilespmem:s19+$0x180A0];
	_ =	sdelay $0x4  }
0x1f3: {  	(xrf0) =	vadd.scan.msk.s32 $0xffff, v10;
	_ =	sdelay $0x5  }
0x1f4: {  	v10, _, _ =	vpop (xrf0)  }
0x1f5: {  	[tilespmem:$0x19130] =	vst v10  }
0x1f6: {  	v10 =	vld [tilespmem:s19+$0x180B0];
	_ =	sdelay $0x4  }
0x1f7: {  	(xrf0) =	vadd.scan.msk.s32 $0xffff, v10;
	_ =	sdelay $0x5  }
0x1f8: {  	v10, _, _ =	vpop (xrf0)  }
0x1f9: {  	[tilespmem:$0x19140] =	vst v10  }
0x1fa: {  	v10 =	vld [tilespmem:s19+$0x180C0];
	_ =	sdelay $0x4  }
0x1fb: {  	(xrf0) =	vadd.scan.msk.s32 $0xffff, v10;
	_ =	sdelay $0x5  }
0x1fc: {  	v10, _, _ =	vpop (xrf0)  }
0x1fd: {  	[tilespmem:$0x19150] =	vst v10  }
0x1fe: {  	v10 =	vld [tilespmem:s19+$0x180D0];
	_ =	sdelay $0x4  }
0x1ff: {  	(xrf0) =	vadd.scan.msk.s32 $0xffff, v10;
	_ =	sdelay $0x5  }
0x200: {  	v10, _, _ =	vpop (xrf0)  }
0x201: {  	[tilespmem:$0x19160] =	vst v10  }
0x202: {  	v10 =	vld [tilespmem:s19+$0x180E0];
	_ =	sdelay $0x4  }
0x203: {  	(xrf0) =	vadd.scan.msk.s32 $0xffff, v10;
	_ =	sdelay $0x5  }
0x204: {  	v10, _, _ =	vpop (xrf0)  }
0x205: {  	[tilespmem:$0x19170] =	vst v10  }
0x206: {  	v10 =	vld [tilespmem:s19+$0x180F0];
	_ =	sdelay $0x4  }
0x207: {  	(xrf0) =	vadd.scan.msk.s32 $0xffff, v10;
	_ =	sdelay $0x5  }
0x208: {  	v10, _, _ =	vpop (xrf0)  }
0x209: {  	[tilespmem:$0x19180] =	vst v10  }
0x20a: {  	v10 =	vld.idx.msk [tilespmem:v3+s13+$0x0], $0xffff;
	_ =	sdelay $0x4  }
0x20b: {  	v11 =	vperm.xlane v10, v4;
	_ =	sdelay $0x1  }
0x20c: {  	(xrf0) =	vadd.scan.msk.s32 $0xffff, v11;
	_ =	sdelay $0x5  }
0x20d: {  	v7 =	vsub.s32 v7, v8;
	v8, _, _ =	vpop (xrf0)  }
0x20e: {  	vm15 =	vge.s32 v8, v7  }
0x20f: {  	v10 =	vmctz.xlane vm15;
	_ =	sdelay $0x3  }
0x210: {  	v8 =	vsub.s32 v8, v11  }
0x211: {  	s19 =	simm.s32 $0x18020;
	[tilespmem:$0x19080] =	vst v8  }
0x212: {  	v8 =	vld.idx.msk [tilespmem:v10+s13+$0x0], $0xffff;
	[tilespmem:s19+$0xFFFFFFE0] =	vst v1  }
0x213: {  	[tilespmem:s19+$0x10] =	vst v1  }
0x214: {  	s20 =	simm.s32 $0x0;
	[tilespmem:s19+$0x0] =	vst v1  }
.LBB2_15:
0x215: {  	s20 =	sadd.s32 $0x4, s20  }
0x216: {  	[tilespmem:s19+$0xFFFFFFF0] =	vst v1;
	s19 =	sadd.s32 $0x40, s19;
	p1 =	slt.u32 s20, $0xFC  }
.Ltmp6:
0x217: {  	[tilespmem:s19+$0xFFFFFFE0] =	vst v1;
	(pc) =	sbr.rel @p1 .LBB2_15-.Ltmp6, $3  }
0x218: {  	_ =	sdelay $0x1  }
0x219: {  	[tilespmem:s19+$0x10] =	vst v1  }
0x21a: {  	[tilespmem:s19+$0x0] =	vst v1  }
0x21b: {  	[tilespmem:s19+$0xFFFFFFF0] =	vst v1  }
0x21c: {  	s31 =	simm.s32 $0x10040;
	[tilespmem:$0x19000] =	vst v1  }
0x21d: {  	v10 =	vshll.u32 v10, $0x10;
	v11 =	vld [tilespmem:s31+$0x30]  }
0x21e: {  	v9 =	vshll.u32 v9, $0x14;
	v10 =	vsub.s32 $0x0, v10;
	v12 =	vld [tilespmem:s31+$0xFFFFFFD0]  }
0x21f: {  	v9 =	vsub.s32 v10, v9;
	v10 =	vld [tilespmem:s31+$0xFFFFFFE0]  }
0x220: {  	v13 =	vld [tilespmem:s31+$0xFFFFFFF0]  }
0x221: {  	v9 =	vadd.s32 $0xFF0000, v9  }
0x222: {  	v6 =	vor.u32 v6, v9;
	v9 =	vld [tilespmem:s31+$0x0]  }
0x223: {  	v14 =	vld [tilespmem:s31+$0x10]  }
0x224: {  	v15 =	vld [tilespmem:s31+$0x20];
	v11 =	vsub.s32 v11, v6;
	v12 =	vsub.s32 v12, v6;
	v10 =	vsub.s32 v10, v6  }
0x225: {  	v16 =	vld [tilespmem:s31+$0xFFFFFFC0];
	v13 =	vsub.s32 v13, v6;
	v11 =	vshrl.u32 v11, $0x4;
	v12 =	vshrl.u32 v12, $0x4  }
0x226: {  	v10 =	vshrl.u32 v10, $0x4;
	v13 =	vshrl.u32 v13, $0x4;
	v11 =	vmin.u32 v11, $0x1000  }
0x227: {  	v9 =	vsub.s32 v9, v6;
	v13 =	vmin.u32 v13, $0x1000;
	v11 =	vand.u32 $0x1FF0, v11  }
0x228: {  	v9 =	vshrl.u32 v9, $0x4;
	v13 =	vand.u32 $0x1FF0, v13;
	v17 =	vor.u32 v0, v11  }
0x229: {  	v11 =	vmin.u32 v12, $0x1000;
	v12 =	vsub.s32 v14, v6;
	v14 =	vmin.u32 v10, $0x1000  }
0x22a: {  	v10 =	vsub.s32 v15, v6;
	v15 =	vsub.s32 v16, v6;
	v12 =	vshrl.u32 v12, $0x4  }
0x22b: {  	v16 =	vshrl.u32 v10, $0x4;
	v15 =	vshrl.u32 v15, $0x4;
	v10 =	vmin.u32 v9, $0x1000  }
0x22c: {  	v11 =	vand.u32 $0x1FF0, v11;
	v14 =	vand.u32 $0x1FF0, v14;
	v15 =	vmin.u32 v15, $0x1000  }
0x22d: {  	s21 =	simm.s32 $0x0;
	s22 =	simm.s32 $0x100C0;
	v9 =	vmin.u32 v12, $0x1000;
	v12 =	vmin.u32 v16, $0x1000;
	v15 =	vand.u32 $0x1FF0, v15;
	[tilespmem:v17+s12+$0x0] =	vst.idx.add.s32.msk $0xffff, v2  }
.LBB2_17:
0x22e: {  	v16 =	vld [tilespmem:s22+$0x30];
	s21 =	sadd.s32 $0x8, s21;
	v10 =	vand.u32 $0x1FF0, v10;
	v9 =	vand.u32 $0x1FF0, v9;
	v12 =	vand.u32 $0x1FF0, v12  }
0x22f: {  	v15 =	vor.u32 v0, v15;
	v11 =	vor.u32 v0, v11;
	v14 =	vor.u32 v0, v14;
	v17 =	vld [tilespmem:s22+$0xFFFFFFD0];
	p1 =	slt.u32 s21, $0x7F8  }
0x230: {  	v13 =	vor.u32 v0, v13;
	v10 =	vor.u32 v0, v10;
	v19 =	vor.u32 v0, v9;
	v18 =	vld [tilespmem:s22+$0xFFFFFFE0]  }
0x231: {  	v20 =	vor.u32 v0, v12;
	v9 =	vld [tilespmem:s22+$0xFFFFFFF0]  }
0x232: {  	v12 =	vld [tilespmem:s22+$0x0]  }
0x233: {  	v21 =	vld [tilespmem:s22+$0x10];
	v16 =	vsub.s32 v16, v6  }
0x234: {  	v17 =	vsub.s32 v17, v6;
	v22 =	vld [tilespmem:s22+$0x20];
	v16 =	vshrl.u32 v16, $0x4  }
0x235: {  	v23 =	vld [tilespmem:s22+$0xFFFFFFC0];
	v17 =	vshrl.u32 v17, $0x4;
	v18 =	vsub.s32 v18, v6;
	v16 =	vmin.u32 v16, $0x1000  }
0x236: {  	v18 =	vshrl.u32 v18, $0x4;
	v9 =	vsub.s32 v9, v6;
	v16 =	vand.u32 $0x1FF0, v16;
	[tilespmem:v15+s12+$0x0] =	vst.idx.add.s32.msk $0xffff, v2  }
0x237: {  	v9 =	vshrl.u32 v9, $0x4;
	v12 =	vsub.s32 v12, v6;
	v15 =	vor.u32 v0, v16;
	[tilespmem:v11+s12+$0x0] =	vst.idx.add.s32.msk $0xffff, v2  }
0x238: {  	v11 =	vmin.u32 v17, $0x1000;
	v12 =	vshrl.u32 v12, $0x4;
	v16 =	vsub.s32 v21, v6;
	[tilespmem:v14+s12+$0x0] =	vst.idx.add.s32.msk $0xffff, v2  }
.Ltmp7:
0x239: {  	v14 =	vmin.u32 v18, $0x1000;
	v16 =	vshrl.u32 v16, $0x4;
	v17 =	vsub.s32 v22, v6;
	[tilespmem:v13+s12+$0x0] =	vst.idx.add.s32.msk $0xffff, v2;
	(pc) =	sbr.rel @p1 .LBB2_17-.Ltmp7, $4  }
0x23a: {  	v18 =	vmin.u32 v9, $0x1000;
	v13 =	vsub.s32 v23, v6;
	v17 =	vshrl.u32 v17, $0x4;
	[tilespmem:v10+s12+$0x0] =	vst.idx.add.s32.msk $0xffff, v2  }
0x23b: {  	v10 =	vmin.u32 v12, $0x1000;
	v9 =	vmin.u32 v16, $0x1000;
	v13 =	vshrl.u32 v13, $0x4;
	[tilespmem:v19+s12+$0x0] =	vst.idx.add.s32.msk $0xffff, v2  }
0x23c: {  	s19 =	simm.s32 $0x190A0;
	s20 =	simm.s32 $0x18100;
	v11 =	vand.u32 $0x1FF0, v11;
	v12 =	vmin.u32 v17, $0x1000;
	v13 =	vmin.u32 v13, $0x1000;
	[tilespmem:v15+s12+$0x0] =	vst.idx.add.s32.msk $0xffff, v2  }
0x23d: {  	s22 =	sadd.s32 $0x80, s22;
	v14 =	vand.u32 $0x1FF0, v14;
	v15 =	vand.u32 $0x1FF0, v13;
	v13 =	vand.u32 $0x1FF0, v18;
	[tilespmem:v20+s12+$0x0] =	vst.idx.add.s32.msk $0xffff, v2  }
0x23e: {  	v15 =	vor.u32 v0, v15  }
0x23f: {  	v11 =	vor.u32 v0, v11  }
0x240: {  	v14 =	vor.u32 v0, v14  }
0x241: {  	v10 =	vand.u32 $0x1FF0, v10;
	v13 =	vor.u32 v0, v13  }
0x242: {  	v9 =	vand.u32 $0x1FF0, v9;
	v10 =	vor.u32 v0, v10  }
0x243: {  	v12 =	vand.u32 $0x1FF0, v12;
	v9 =	vor.u32 v0, v9;
	[tilespmem:v15+s12+$0x0] =	vst.idx.add.s32.msk $0xffff, v2  }
0x244: {  	v12 =	vor.u32 v0, v12;
	[tilespmem:v11+s12+$0x0] =	vst.idx.add.s32.msk $0xffff, v2  }
0x245: {  	[tilespmem:v14+s12+$0x0] =	vst.idx.add.s32.msk $0xffff, v2  }
0x246: {  	[tilespmem:v13+s12+$0x0] =	vst.idx.add.s32.msk $0xffff, v2  }
0x247: {  	[tilespmem:v10+s12+$0x0] =	vst.idx.add.s32.msk $0xffff, v2  }
0x248: {  	[tilespmem:v9+s12+$0x0] =	vst.idx.add.s32.msk $0xffff, v2  }
0x249: {  	[tilespmem:v12+s12+$0x0] =	vst.idx.add.s32.msk $0xffff, v2  }
0x24a: {  	v9 =	vld [tilespmem:s20+$0xFFFFFF00]  }
0x24b: {  	v10 =	vld [tilespmem:s20+$0xFFFFFF10]  }
0x24c: {  	v11 =	vld [tilespmem:s20+$0xFFFFFF20]  }
0x24d: {  	v12 =	vld [tilespmem:s20+$0xFFFFFF30]  }
0x24e: {  	v13 =	vld [tilespmem:s20+$0xFFFFFF40]  }
0x24f: {  	v14 =	vld [tilespmem:s20+$0xFFFFFF50]  }
0x250: {  	v9 =	vadd.s32 v9, v10;
	v10 =	vld [tilespmem:s20+$0xFFFFFF60]  }
0x251: {  	v9 =	vadd.s32 v11, v9;
	v11 =	vld [tilespmem:s20+$0xFFFFFF70]  }
0x252: {  	v50 =	vld [tilespmem:s20+$0xFFFFFF80];
	v9 =	vadd.s32 v12, v9  }
0x253: {  	v51 =	vld [tilespmem:s20+$0xFFFFFF90];
	v9 =	vadd.s32 v13, v9  }
0x254: {  	v52 =	vld [tilespmem:s20+$0xFFFFFFA0];
	v9 =	vadd.s32 v14, v9  }
0x255: {  	v9 =	vadd.s32 v10, v9;
	v10 =	vld [tilespmem:s20+$0xFFFFFFB0]  }
0x256: {  	v9 =	vadd.s32 v11, v9;
	v11 =	vld [tilespmem:s20+$0xFFFFFFC0]  }
0x257: {  	v53 =	vld [tilespmem:s20+$0xFFFFFFD0];
	v9 =	vadd.s32 v50, v9  }
0x258: {  	v54 =	vld [tilespmem:s20+$0xFFFFFFE0];
	v9 =	vadd.s32 v51, v9  }
0x259: {  	v55 =	vld [tilespmem:s20+$0xFFFFFFF0];
	v9 =	vadd.s32 v52, v9  }
0x25a: {  	v9 =	vadd.s32 v10, v9  }
0x25b: {  	v9 =	vadd.s32 v11, v9  }
0x25c: {  	v9 =	vadd.s32 v53, v9  }
0x25d: {  	v9 =	vadd.s32 v54, v9  }
0x25e: {  	v9 =	vadd.s32 v55, v9  }
0x25f: {  	(xrf0) =	vadd.scan.msk.s32 $0xffff, v9;
	_ =	sdelay $0x5  }
0x260: {  	v9, _, _ =	vpop (xrf0)  }
0x261: {  	[tilespmem:s19+$0xFFFFFFF0] =	vst v9  }
0x262: {  	v9 =	vld [tilespmem:s20+$0x0]  }
0x263: {  	v10 =	vld [tilespmem:s20+$0x10]  }
0x264: {  	v11 =	vld [tilespmem:s20+$0x20]  }
0x265: {  	v56 =	vld [tilespmem:s20+$0x30]  }
0x266: {  	v57 =	vld [tilespmem:s20+$0x40]  }
0x267: {  	v58 =	vld [tilespmem:s20+$0x50]  }
0x268: {  	v15 =	vld [tilespmem:s20+$0x60];
	v9 =	vadd.s32 v9, v10  }
0x269: {  	v10 =	vld [tilespmem:s20+$0x70];
	v9 =	vadd.s32 v11, v9  }
0x26a: {  	v11 =	vld [tilespmem:s20+$0x80];
	v9 =	vadd.s32 v56, v9  }
0x26b: {  	v59 =	vld [tilespmem:s20+$0x90];
	v9 =	vadd.s32 v57, v9  }
0x26c: {  	v60 =	vld [tilespmem:s20+$0xA0];
	v9 =	vadd.s32 v58, v9  }
0x26d: {  	v61 =	vld [tilespmem:s20+$0xB0];
	v9 =	vadd.s32 v15, v9  }
0x26e: {  	v62 =	vld [tilespmem:s20+$0xC0];
	v9 =	vadd.s32 v10, v9  }
0x26f: {  	v10 =	vld [tilespmem:s20+$0xD0];
	v9 =	vadd.s32 v11, v9  }
0x270: {  	v11 =	vld [tilespmem:s20+$0xE0];
	v9 =	vadd.s32 v59, v9  }
0x271: {  	v63 =	vld [tilespmem:s20+$0xF0];
	v9 =	vadd.s32 v60, v9  }
0x272: {  	v9 =	vadd.s32 v61, v9  }
0x273: {  	v9 =	vadd.s32 v62, v9  }
0x274: {  	v9 =	vadd.s32 v10, v9  }
0x275: {  	v9 =	vadd.s32 v11, v9  }
0x276: {  	v9 =	vadd.s32 v63, v9  }
0x277: {  	s21 =	simm.s32 $0x0;
	s22 =	simm.s32 $0x190A0;
	(xrf0) =	vadd.scan.msk.s32 $0xffff, v9  }
.LBB2_19:
0x278: {  	_ =	sdelay $0x3  }
0x279: {  	s21 =	sadd.s32 $0x2, s21;
	s19 =	sadd.s32 $0x20, s19;
	s20 =	sadd.s32 $0x200, s20  }
0x27a: {  	p1 =	slt.u32 s21, $0xE;
	v9, _, _ =	vpop (xrf0)  }
0x27b: {  	[tilespmem:s22+$0x0] =	vst v9;
	s22 =	smov.u32 s19  }
0x27c: {  	v9 =	vld [tilespmem:s20+$0xFFFFFF00]  }
0x27d: {  	v10 =	vld [tilespmem:s20+$0xFFFFFF10]  }
0x27e: {  	v11 =	vld [tilespmem:s20+$0xFFFFFF20]  }
0x27f: {  	v12 =	vld [tilespmem:s20+$0xFFFFFF30]  }
0x280: {  	v13 =	vld [tilespmem:s20+$0xFFFFFF40]  }
0x281: {  	v14 =	vld [tilespmem:s20+$0xFFFFFF50]  }
0x282: {  	v9 =	vadd.s32 v9, v10;
	v10 =	vld [tilespmem:s20+$0xFFFFFF60]  }
0x283: {  	v9 =	vadd.s32 v11, v9;
	v11 =	vld [tilespmem:s20+$0xFFFFFF70]  }
0x284: {  	v9 =	vadd.s32 v12, v9;
	v12 =	vld [tilespmem:s20+$0xFFFFFF80]  }
0x285: {  	v9 =	vadd.s32 v13, v9;
	v13 =	vld [tilespmem:s20+$0xFFFFFF90]  }
0x286: {  	v9 =	vadd.s32 v14, v9;
	v14 =	vld [tilespmem:s20+$0xFFFFFFA0]  }
0x287: {  	v9 =	vadd.s32 v10, v9;
	v10 =	vld [tilespmem:s20+$0xFFFFFFB0]  }
0x288: {  	v9 =	vadd.s32 v11, v9;
	v11 =	vld [tilespmem:s20+$0xFFFFFFC0]  }
0x289: {  	v9 =	vadd.s32 v12, v9;
	v12 =	vld [tilespmem:s20+$0xFFFFFFD0]  }
0x28a: {  	v9 =	vadd.s32 v13, v9;
	v13 =	vld [tilespmem:s20+$0xFFFFFFE0]  }
0x28b: {  	v9 =	vadd.s32 v14, v9;
	v14 =	vld [tilespmem:s20+$0xFFFFFFF0]  }
0x28c: {  	v9 =	vadd.s32 v10, v9  }
0x28d: {  	v9 =	vadd.s32 v11, v9  }
0x28e: {  	v9 =	vadd.s32 v12, v9  }
0x28f: {  	v9 =	vadd.s32 v13, v9  }
0x290: {  	v9 =	vadd.s32 v14, v9  }
0x291: {  	(xrf0) =	vadd.scan.msk.s32 $0xffff, v9;
	_ =	sdelay $0x5  }
0x292: {  	v9, _, _ =	vpop (xrf0)  }
0x293: {  	[tilespmem:s19+$0xFFFFFFF0] =	vst v9  }
0x294: {  	v9 =	vld [tilespmem:s20+$0x20]  }
0x295: {  	v10 =	vld [tilespmem:s20+$0x0]  }
0x296: {  	v11 =	vld [tilespmem:s20+$0x10]  }
0x297: {  	v12 =	vld [tilespmem:s20+$0x30]  }
0x298: {  	v13 =	vld [tilespmem:s20+$0x40]  }
0x299: {  	v14 =	vld [tilespmem:s20+$0x50]  }
0x29a: {  	v15 =	vld [tilespmem:s20+$0x60]  }
0x29b: {  	v10 =	vadd.s32 v10, v11;
	v11 =	vld [tilespmem:s20+$0x70]  }
0x29c: {  	v9 =	vadd.s32 v9, v10;
	v10 =	vld [tilespmem:s20+$0x80]  }
0x29d: {  	v9 =	vadd.s32 v12, v9;
	v12 =	vld [tilespmem:s20+$0x90]  }
0x29e: {  	v9 =	vadd.s32 v13, v9;
	v13 =	vld [tilespmem:s20+$0xA0]  }
0x29f: {  	v9 =	vadd.s32 v14, v9;
	v14 =	vld [tilespmem:s20+$0xB0]  }
0x2a0: {  	v9 =	vadd.s32 v15, v9;
	v15 =	vld [tilespmem:s20+$0xC0]  }
0x2a1: {  	v9 =	vadd.s32 v11, v9;
	v11 =	vld [tilespmem:s20+$0xD0]  }
0x2a2: {  	v9 =	vadd.s32 v10, v9;
	v10 =	vld [tilespmem:s20+$0xE0]  }
0x2a3: {  	v9 =	vadd.s32 v12, v9;
	v12 =	vld [tilespmem:s20+$0xF0]  }
0x2a4: {  	v9 =	vadd.s32 v13, v9  }
0x2a5: {  	v9 =	vadd.s32 v14, v9  }
.Ltmp8:
0x2a6: {  	v9 =	vadd.s32 v15, v9;
	(pc) =	sbr.rel @p1 .LBB2_19-.Ltmp8, $4  }
0x2a7: {  	v9 =	vadd.s32 v11, v9  }
0x2a8: {  	v9 =	vadd.s32 v10, v9  }
0x2a9: {  	v9 =	vadd.s32 v12, v9  }
0x2aa: {  	(xrf0) =	vadd.scan.msk.s32 $0xffff, v9  }
0x2ab: {  	_ =	sdelay $0x4  }
0x2ac: {  	v9, _, _ =	vpop (xrf0)  }
0x2ad: {  	[tilespmem:s22+$0x0] =	vst v9  }
0x2ae: {  	v9 =	vld.idx.msk [tilespmem:v3+s13+$0x0], $0xffff;
	_ =	sdelay $0x4  }
0x2af: {  	v9 =	vperm.xlane v9, v4;
	_ =	sdelay $0x1  }
0x2b0: {  	(xrf0) =	vadd.scan.msk.s32 $0xffff, v9;
	_ =	sdelay $0x5  }
0x2b1: {  	v7 =	vsub.s32 v7, v8;
	v8, _, _ =	vpop (xrf0)  }
0x2b2: {  	vm0 =	vge.s32 v8, v7  }
0x2b3: {  	v10 =	vmctz.xlane vm0;
	_ =	sdelay $0x1  }
0x2b4: {  	v11 =	vsub.s32 $0x8000000F, v10  }
0x2b5: {  	(xrf0) =	vmax.scan.msk.u32 $0xffff, v11;
	_ =	sdelay $0x5  }
0x2b6: {  	v11, _, _ =	vpop (xrf0)  }
0x2b7: {  	(v2sf) =	vpush v11, $0xF;
	_ =	sdelay $0xe  }
0x2b8: {  	s19 =	spop (v2sf)  }
0x2b9: {  	v8 =	vsub.s32 v8, v9;
	s19 =	sshll.u32 s19, $0xA  }
0x2ba: {  	[tilespmem:$0x19080] =	vst v8;
	s19 =	sshra.s32 s19, $0x2  }
0x2bb: {  	v8 =	vld [tilespmem:s19+$0x18000];
	_ =	sdelay $0x4  }
0x2bc: {  	(xrf0) =	vadd.scan.msk.s32 $0xffff, v8;
	_ =	sdelay $0x5  }
0x2bd: {  	v9, _, _ =	vpop (xrf0)  }
0x2be: {  	v8 =	vld.idx.msk [tilespmem:v10+s13+$0x0], $0xffff;
	[tilespmem:$0x19090] =	vst v9  }
0x2bf: {  	v9 =	vld [tilespmem:s19+$0x18010];
	_ =	sdelay $0x4  }
0x2c0: {  	(xrf0) =	vadd.scan.msk.s32 $0xffff, v9;
	_ =	sdelay $0x5  }
0x2c1: {  	v9, _, _ =	vpop (xrf0)  }
0x2c2: {  	[tilespmem:$0x190A0] =	vst v9  }
0x2c3: {  	v9 =	vld [tilespmem:s19+$0x18020];
	_ =	sdelay $0x4  }
0x2c4: {  	(xrf0) =	vadd.scan.msk.s32 $0xffff, v9;
	_ =	sdelay $0x5  }
0x2c5: {  	v9, _, _ =	vpop (xrf0)  }
0x2c6: {  	[tilespmem:$0x190B0] =	vst v9  }
0x2c7: {  	v9 =	vld [tilespmem:s19+$0x18030];
	_ =	sdelay $0x4  }
0x2c8: {  	(xrf0) =	vadd.scan.msk.s32 $0xffff, v9;
	_ =	sdelay $0x5  }
0x2c9: {  	v9, _, _ =	vpop (xrf0)  }
0x2ca: {  	[tilespmem:$0x190C0] =	vst v9  }
0x2cb: {  	v9 =	vld [tilespmem:s19+$0x18040];
	_ =	sdelay $0x4  }
0x2cc: {  	(xrf0) =	vadd.scan.msk.s32 $0xffff, v9;
	_ =	sdelay $0x5  }
0x2cd: {  	v9, _, _ =	vpop (xrf0)  }
0x2ce: {  	[tilespmem:$0x190D0] =	vst v9  }
0x2cf: {  	v9 =	vld [tilespmem:s19+$0x18050];
	_ =	sdelay $0x4  }
0x2d0: {  	(xrf0) =	vadd.scan.msk.s32 $0xffff, v9;
	_ =	sdelay $0x5  }
0x2d1: {  	v9, _, _ =	vpop (xrf0)  }
0x2d2: {  	[tilespmem:$0x190E0] =	vst v9  }
0x2d3: {  	v9 =	vld [tilespmem:s19+$0x18060];
	_ =	sdelay $0x4  }
0x2d4: {  	(xrf0) =	vadd.scan.msk.s32 $0xffff, v9;
	_ =	sdelay $0x5  }
0x2d5: {  	v9, _, _ =	vpop (xrf0)  }
0x2d6: {  	[tilespmem:$0x190F0] =	vst v9  }
0x2d7: {  	v9 =	vld [tilespmem:s19+$0x18070];
	_ =	sdelay $0x4  }
0x2d8: {  	(xrf0) =	vadd.scan.msk.s32 $0xffff, v9;
	_ =	sdelay $0x5  }
0x2d9: {  	v9, _, _ =	vpop (xrf0)  }
0x2da: {  	[tilespmem:$0x19100] =	vst v9  }
0x2db: {  	v9 =	vld [tilespmem:s19+$0x18080];
	_ =	sdelay $0x4  }
0x2dc: {  	(xrf0) =	vadd.scan.msk.s32 $0xffff, v9;
	_ =	sdelay $0x5  }
0x2dd: {  	v9, _, _ =	vpop (xrf0)  }
0x2de: {  	[tilespmem:$0x19110] =	vst v9  }
0x2df: {  	v9 =	vld [tilespmem:s19+$0x18090];
	_ =	sdelay $0x4  }
0x2e0: {  	(xrf0) =	vadd.scan.msk.s32 $0xffff, v9;
	_ =	sdelay $0x5  }
0x2e1: {  	v9, _, _ =	vpop (xrf0)  }
0x2e2: {  	[tilespmem:$0x19120] =	vst v9  }
0x2e3: {  	v9 =	vld [tilespmem:s19+$0x180A0];
	_ =	sdelay $0x4  }
0x2e4: {  	(xrf0) =	vadd.scan.msk.s32 $0xffff, v9;
	_ =	sdelay $0x5  }
0x2e5: {  	v9, _, _ =	vpop (xrf0)  }
0x2e6: {  	[tilespmem:$0x19130] =	vst v9  }
0x2e7: {  	v9 =	vld [tilespmem:s19+$0x180B0];
	_ =	sdelay $0x4  }
0x2e8: {  	(xrf0) =	vadd.scan.msk.s32 $0xffff, v9;
	_ =	sdelay $0x5  }
0x2e9: {  	v9, _, _ =	vpop (xrf0)  }
0x2ea: {  	[tilespmem:$0x19140] =	vst v9  }
0x2eb: {  	v9 =	vld [tilespmem:s19+$0x180C0];
	_ =	sdelay $0x4  }
0x2ec: {  	(xrf0) =	vadd.scan.msk.s32 $0xffff, v9;
	_ =	sdelay $0x5  }
0x2ed: {  	v9, _, _ =	vpop (xrf0)  }
0x2ee: {  	[tilespmem:$0x19150] =	vst v9  }
0x2ef: {  	v9 =	vld [tilespmem:s19+$0x180D0];
	_ =	sdelay $0x4  }
0x2f0: {  	(xrf0) =	vadd.scan.msk.s32 $0xffff, v9;
	_ =	sdelay $0x5  }
0x2f1: {  	v9, _, _ =	vpop (xrf0)  }
0x2f2: {  	[tilespmem:$0x19160] =	vst v9  }
0x2f3: {  	v9 =	vld [tilespmem:s19+$0x180E0];
	_ =	sdelay $0x4  }
0x2f4: {  	(xrf0) =	vadd.scan.msk.s32 $0xffff, v9;
	_ =	sdelay $0x5  }
0x2f5: {  	v9, _, _ =	vpop (xrf0)  }
0x2f6: {  	[tilespmem:$0x19170] =	vst v9  }
0x2f7: {  	v9 =	vld [tilespmem:s19+$0x180F0];
	_ =	sdelay $0x4  }
0x2f8: {  	(xrf0) =	vadd.scan.msk.s32 $0xffff, v9;
	_ =	sdelay $0x5  }
0x2f9: {  	v9, _, _ =	vpop (xrf0)  }
0x2fa: {  	[tilespmem:$0x19180] =	vst v9  }
0x2fb: {  	v9 =	vld.idx.msk [tilespmem:v3+s13+$0x0], $0xffff;
	_ =	sdelay $0x4  }
0x2fc: {  	v9 =	vperm.xlane v9, v4;
	_ =	sdelay $0x1  }
0x2fd: {  	(xrf0) =	vadd.scan.msk.s32 $0xffff, v9;
	_ =	sdelay $0x5  }
0x2fe: {  	v7 =	vsub.s32 v7, v8;
	v8, _, _ =	vpop (xrf0)  }
0x2ff: {  	vm0 =	vge.s32 v8, v7;
	v7 =	vsub.s32 v8, v9  }
0x300: {  	s31 =	simm.s32 $0x10040;
	v8 =	vmctz.xlane vm0;
	[tilespmem:$0x19080] =	vst v7  }
0x301: {  	v12 =	vld [tilespmem:s31+$0x30]  }
0x302: {  	v13 =	vld [tilespmem:s31+$0xFFFFFFD0];
	v7 =	vshll.u32 v8, $0x8  }
0x303: {  	v8 =	vshll.u32 v10, $0xC;
	v10 =	vld [tilespmem:s31+$0xFFFFFFE0];
	v7 =	vsub.s32 $0x0, v7  }
0x304: {  	v7 =	vsub.s32 v7, v8;
	v8 =	vld [tilespmem:s31+$0xFFFFFFF0]  }
0x305: {  	v9 =	vadd.s32 $0xFF00, v7;
	v7 =	vld [tilespmem:s31+$0x0]  }
0x306: {  	v17 =	vld [tilespmem:s31+$0xFFFFFFC0];
	v6 =	vor.u32 v6, v9;
	vm1 =	vgt.s32 v12, $0xFFFFFFFF  }
0x307: {  	v9 =	vld [tilespmem:s31+$0x10];
	vm2 =	vgt.s32 v13, $0xFFFFFFFF;
	vm0 =	vlt.u32 v13, v6;
	v14 =	vsel vm1, $0xFFFFFFFF, v5  }
0x308: {  	v11 =	vld [tilespmem:s31+$0x20];
	v15 =	vsel vm2, $0xFFFFFFFF, v5;
	vm1 =	vgt.s32 v10, $0xFFFFFFFF;
	vm2 =	vlt.u32 v12, v6  }
0x309: {  	v14 =	vxor.u32 v12, v14;
	v16 =	vsel vm1, $0xFFFFFFFF, v5;
	vm1 =	vgt.s32 v8, $0xFFFFFFFF  }
0x30a: {  	v14 =	vmul.f32 $4.000000000e+00, v14;
	v18 =	vsel vm1, $0xFFFFFFFF, v5;
	vm1 =	vgt.s32 v7, $0xFFFFFFFF  }
0x30b: {  	v20 =	vxor.u32 v13, v15;
	v15 =	vxor.u32 v10, v16;
	v12 =	vsel vm1, $0xFFFFFFFF, v5  }
0x30c: {  	vm1 =	vgt.s32 v9, $0xFFFFFFFF;
	v19 =	vsel vm2, $0x0, v14;
	vm2 =	vgt.s32 v17, $0xFFFFFFFF  }
0x30d: {  	v16 =	vxor.u32 v8, v18;
	v14 =	vsel vm1, $0xFFFFFFFF, v5;
	vm1 =	vgt.s32 v11, $0xFFFFFFFF  }
0x30e: {  	v22 =	vsel vm2, $0xFFFFFFFF, v5;
	v13 =	vxor.u32 v7, v12;
	v21 =	vsel vm1, $0xFFFFFFFF, v5  }
0x30f: {  	v18 =	vxor.u32 v17, v22;
	v14 =	vxor.u32 v9, v14;
	vm1 =	vlt.u32 v17, v6  }
0x310: {  	s20 =	simm.s32 $0x100C0;
	s19 =	simm.s32 $0x0;
	[tilespmem:s17+$0x30] =	vst v19;
	v17 =	vmul.f32 $4.000000000e+00, v20;
	v12 =	vxor.u32 v11, v21;
	v18 =	vmul.f32 $4.000000000e+00, v18  }
.LBB2_21:
0x311: {  	v19 =	vld [tilespmem:s20+$0x30];
	s19 =	sadd.s32 $0x8, s19;
	vm2 =	vlt.u32 v10, v6;
	v15 =	vmul.f32 $4.000000000e+00, v15;
	v16 =	vmul.f32 $4.000000000e+00, v16  }
0x312: {  	vm3 =	vlt.u32 v8, v6;
	v13 =	vmul.f32 $4.000000000e+00, v13;
	v14 =	vmul.f32 $4.000000000e+00, v14;
	v20 =	vld [tilespmem:s20+$0xFFFFFFD0];
	p1 =	slt.u32 s19, $0x7F8  }
0x313: {  	vm4 =	vlt.u32 v7, v6;
	vm5 =	vlt.u32 v9, v6;
	v12 =	vmul.f32 $4.000000000e+00, v12;
	v10 =	vld [tilespmem:s20+$0xFFFFFFE0]  }
0x314: {  	v9 =	vsel vm1, $0x0, v18;
	v17 =	vsel vm0, $0x0, v17;
	vm0 =	vlt.u32 v11, v6;
	v8 =	vld [tilespmem:s20+$0xFFFFFFF0]  }
0x315: {  	v15 =	vsel vm2, $0x0, v15;
	v16 =	vsel vm3, $0x0, v16;
	v13 =	vsel vm4, $0x0, v13;
	v7 =	vld [tilespmem:s20+$0x0];
	[tilespmem:s17+$0xFFFFFFC0] =	vst v9  }
0x316: {  	v14 =	vsel vm5, $0x0, v14;
	v12 =	vsel vm0, $0x0, v12;
	v9 =	vld [tilespmem:s20+$0x10];
	vm1 =	vgt.s32 v19, $0xFFFFFFFF;
	[tilespmem:s17+$0xFFFFFFD0] =	vst v17  }
0x317: {  	vm2 =	vgt.s32 v20, $0xFFFFFFFF;
	vm0 =	vlt.u32 v20, v6;
	v11 =	vld [tilespmem:s20+$0x20];
	v17 =	vsel vm1, $0xFFFFFFFF, v5;
	[tilespmem:s17+$0xFFFFFFE0] =	vst v15  }
0x318: {  	v18 =	vld [tilespmem:s20+$0xFFFFFFC0];
	v15 =	vsel vm2, $0xFFFFFFFF, v5;
	vm1 =	vgt.s32 v10, $0xFFFFFFFF;
	v17 =	vxor.u32 v19, v17;
	[tilespmem:s17+$0xFFFFFFF0] =	vst v16  }
0x319: {  	v16 =	vsel vm1, $0xFFFFFFFF, v5;
	vm1 =	vgt.s32 v8, $0xFFFFFFFF;
	v17 =	vmul.f32 $4.000000000e+00, v17;
	[tilespmem:s17+$0x0] =	vst v13  }
0x31a: {  	vm2 =	vlt.u32 v19, v6;
	v13 =	vsel vm1, $0xFFFFFFFF, v5;
	vm1 =	vgt.s32 v7, $0xFFFFFFFF;
	[tilespmem:s17+$0x10] =	vst v14  }
0x31b: {  	v14 =	vsel vm1, $0xFFFFFFFF, v5;
	vm1 =	vgt.s32 v9, $0xFFFFFFFF;
	v17 =	vsel vm2, $0x0, v17;
	[tilespmem:s17+$0x20] =	vst v12;
	s17 =	sadd.s32 $0x80, s17  }
.Ltmp9:
0x31c: {  	v19 =	vxor.u32 v20, v15;
	v12 =	vsel vm1, $0xFFFFFFFF, v5;
	vm1 =	vgt.s32 v11, $0xFFFFFFFF;
	[tilespmem:s17+$0x30] =	vst v17;
	(pc) =	sbr.rel @p1 .LBB2_21-.Ltmp9, $4  }
0x31d: {  	v15 =	vxor.u32 v10, v16;
	vm2 =	vgt.s32 v18, $0xFFFFFFFF;
	v17 =	vsel vm1, $0xFFFFFFFF, v5  }
0x31e: {  	v16 =	vxor.u32 v8, v13;
	v13 =	vxor.u32 v7, v14;
	v20 =	vsel vm2, $0xFFFFFFFF, v5  }
0x31f: {  	v14 =	vxor.u32 v9, v12;
	v12 =	vxor.u32 v11, v17;
	v20 =	vxor.u32 v18, v20  }
0x320: {  	s20 =	sadd.s32 $0x80, s20;
	vm1 =	vlt.u32 v18, v6;
	v17 =	vmul.f32 $4.000000000e+00, v19;
	v18 =	vmul.f32 $4.000000000e+00, v20  }
0x321: {  	_ = 	snop  }
0x322: {  	v15 =	vmul.f32 $4.000000000e+00, v15;
	v18 =	vsel vm1, $0x0, v18  }
0x323: {  	vm11 =	vlt.u32 v10, v6;
	v59 =	vmul.f32 $4.000000000e+00, v16;
	v60 =	vsel vm0, $0x0, v17;
	[tilespmem:s17+$0xFFFFFFC0] =	vst v18  }
0x324: {  	vm12 =	vlt.u32 v8, v6;
	v61 =	vmul.f32 $4.000000000e+00, v13;
	s19 =	sadd.s32 s4, s16;
	s16 =	sadd.s32 $0x1, s16;
	v62 =	vsel vm11, $0x0, v15;
	[tilespmem:s17+$0xFFFFFFD0] =	vst v60  }
0x325: {  	v14 =	vmul.f32 $4.000000000e+00, v14;
	vm13 =	vlt.u32 v7, v6;
	p1 =	sne.s32 s16, $0x4;
	v7 =	vsel vm12, $0x0, v59;
	[tilespmem:s17+$0xFFFFFFE0] =	vst v62  }
.Ltmp10:
0x326: {  	vm14 =	vlt.u32 v9, v6;
	v63 =	vmul.f32 $4.000000000e+00, v12;
	v8 =	vsel vm13, $0x0, v61;
	[tilespmem:s17+$0xFFFFFFF0] =	vst v7;
	(pc) =	sbr.rel @p1 .LBB2_2-.Ltmp10, $4  }
0x327: {  	vm15 =	vlt.u32 v11, v6;
	v6 =	vsel vm14, $0x0, v14;
	[tilespmem:s17+$0x0] =	vst v8  }
0x328: {  	s19 =	sshll.u32 s19, $0x4;
	v7 =	vsel vm15, $0x0, v63;
	[tilespmem:s17+$0x10] =	vst v6  }
0x329: {  	p0 =	por !p0, !p0;
	s31 =	sadd.s32 s19, s7;
	[tilespmem:s17+$0x20] =	vst v7  }
0x32a: {  	[hbm4b:s31+s9] =	stream.strided.scatter [tilespmem:s18], [sflag:$0x2], $0x8000, s10, s9, $0x38;
	[tilespmem:$0x19200] =	vst v63  }
0x32b: {  	s15 =	sadd.s32 $0x1, s15  }
0x32c: {  	p0 =	sne.s32 s15, s8  }
.Ltmp11:
0x32d: {  	_ = 	snop;
	(pc) =	sbr.rel @p0 .LBB2_1-.Ltmp11, $4  }
0x32e: {  	_ = 	snop  }
0x32f: {  	_ =	swait.ge [sflag:s14], $0x8000  }
0x330: {  	[sflag:s14] =	ssyncset.done $0x0  }
0x331: {  	[sflag:s14] =	ssyncadd.s32 $0xFFFF8000  }
0x332: {  	_ =	sfence.sel $0x180000  }
0x333: {  	[bflag:$0x0] =	sbarrier.arrive $0xFFFF  }
0x334: {  	p0 =	sne.s32 s3, $0x0;
	_ =	strace $0x90000047  }
0x335: {  	s0 =	sadd.s32 @!p0 $0x100000, s0;
	[bflag:$0x2] =	sbarrier.arrive $0xFFFF  }
0x336: {  	[sflag:s0] =	ssyncadd.tile.s32 @!p0 $0x1;
	_ =	shalt  }
.Lfunc_end2:
_tile_overlayer_lowered:
.L_overlay_start_2:
0x337: {  	(tag) =	ssettag $0x2  }
0x338: {  	s0 =	rddreg [dreg:$0x0];
	s2 =	stileid.u32  }
0x339: {  	s1 =	rddreg [dreg:$0x1];
	p0 =	sne.s32 s2, $0x0  }
0x33a: {  	s3 =	rddreg [dreg:$0x2];
	[bflag:$0x3] =	sbarrier.arrive $0xFFFF;
	s2 =	simm.s32 @!p0 $0x1C03  }
0x33b: {  	[timem:s3], [sflag:s2] =	dma.local @!p0 [hbm:s0], s1  }
0x33c: {  	s0 =	simm.s32 @!p0 $0x3  }
0x33d: {  	_ =	swait.ge @!p0 [sflag:s0], s1  }
0x33e: {  	s1 =	ssub.s32 @!p0 $0x0, s1;
	[sflag:s0] =	ssyncset.done @!p0 $0x0  }
0x33f: {  	[sflag:s0] =	ssyncadd.s32 @!p0 s1  }
0x340: {  	[bflag:$0x3] =	sbarrier.arrive $0xFFFF  }
0x341: {  	_ =	shalt  }

</sc_bundles>
